<compile_context>
chip_gen: v7x
topology: tpu7x:2x2x1
jax: 0.10.2.dev20260603
libtpu: 0.0.44.dev20260713+nightly
codegen_flags: <defaults>
</compile_context>

<pallas_src>
import jax
import jax.numpy as jnp
from jax import lax
from jax.experimental import pallas as pl
from jax.experimental.pallas import tpu as pltpu
from jax.experimental.pallas import tpu_sc as plsc

N = 2048
E = 32768
D_IN = 512
D_HID = 256
BLK = 256
LANES = 16
NW = 32
ROWS = 32
PASSES = 2
UNROLL = 16
ZUNROLL = 8


def _build_adj_body(idx_hbm, a_hbm, blk, idxv):
    cid = lax.axis_index("c")
    sid = lax.axis_index("s")
    wid = sid * 2 + cid
    ones = jnp.full((LANES,), 1.0, jnp.float32)
    zv = jnp.zeros((LANES,), jnp.float32)
    pltpu.sync_copy(idx_hbm, idxv)
    for p in range(PASSES):
        base = (p * (N // PASSES) + wid * ROWS) * N

        def zbody(i, carry):
            for u in range(ZUNROLL):
                blk[pl.ds((i * ZUNROLL + u) * LANES, LANES)] = zv
            return carry

        lax.fori_loop(0, ROWS * N // LANES // ZUNROLL, zbody, 0)

        def body(i, carry):
            for u in range(UNROLL):
                g = i * UNROLL + u
                d = idxv[pl.ds(g * LANES, LANES)] - base
                du = lax.bitcast_convert_type(d, jnp.uint32)
                m = du < jnp.uint32(ROWS * N)
                plsc.addupdate_scatter(blk, [d], ones, mask=m)
            return carry

        lax.fori_loop(0, E // LANES // UNROLL, body, 0)
        pltpu.sync_copy(blk, a_hbm.at[pl.ds(base, ROWS * N)])


@jax.jit
def _build_adj(idx):
    a_flat = pl.kernel(
        _build_adj_body,
        out_type=jax.ShapeDtypeStruct((N * N,), jnp.float32),
        mesh=plsc.VectorSubcoreMesh(core_axis_name="c", subcore_axis_name="s"),
        compiler_params=pltpu.CompilerParams(needs_layout_passes=False),
        scratch_types=[
            pltpu.VMEM((ROWS * N,), jnp.float32),
            pltpu.VMEM((E,), jnp.int32),
        ],
    )(idx)
    return a_flat.reshape(N, N)


def _tc_body(ar_ref, ac_ref, x_ref, wnt_ref, wgt_ref, bn_ref, bg_ref,
             s_ref, z1_s, z2_s, n2_s, n3_s, w_s):
    p = pl.program_id(0)
    j = pl.program_id(1)
    rows = pl.ds(j * BLK, BLK)

    @pl.when(p == 0)
    def _scales():
        deg = jnp.maximum(jnp.sum(ar_ref[...], axis=1, keepdims=True), 1.0)
        rin = 1.0 / deg
        n1 = lax.rsqrt(deg)
        z1_s[rows, :] = x_ref[...] * n1
        n2_s[rows, :] = rin * rin
        n3_s[rows, :] = n1 * rin

    @pl.when(p == 1)
    def _weight_round1():
        q = ac_ref[...] * n2_s[...]
        acc = jnp.dot(ar_ref[...], q, preferred_element_type=jnp.float32)
        ri = lax.broadcasted_iota(jnp.int32, (BLK, BLK), 0)
        ci = lax.broadcasted_iota(jnp.int32, (BLK, BLK), 1)
        diag = jnp.sum(jnp.where(ri == ci, acc, 0.0), axis=1, keepdims=True)
        d2b = n2_s[rows, :]
        w_s[rows, :] = diag * d2b
        t = jnp.dot(ar_ref[...], z1_s[...], preferred_element_type=jnp.float32)
        z2_s[rows, :] = t * d2b

    @pl.when(p == 2)
    def _final():
        t2 = jnp.dot(ar_ref[...], z2_s[...], preferred_element_type=jnp.float32)
        agg = t2 * n3_s[rows, :]
        xb = x_ref[...]
        eg = agg - xb * w_s[rows, :]
        a = jnp.dot(xb, wnt_ref[...], preferred_element_type=jnp.float32) + bn_ref[...]
        b = jnp.dot(eg, wgt_ref[...], preferred_element_type=jnp.float32) + bg_ref[...]
        eps = 1e-8
        an = jnp.maximum(jnp.sqrt(jnp.sum(a * a, axis=1, keepdims=True)), eps)
        bn = jnp.maximum(jnp.sqrt(jnp.sum(b * b, axis=1, keepdims=True)), eps)
        s_ref[...] = -jnp.sum(a * b, axis=1, keepdims=True) / (an * bn)


def kernel(x, edge_index, fc_n_w, fc_n_b, fc_g_w, fc_g_b):
    ei0 = edge_index[0].astype(jnp.int32)
    ei1 = edge_index[1].astype(jnp.int32)
    idx = ei0 * N + ei1

    a_mat = _build_adj(idx)

    grid = N // BLK
    s = pl.pallas_call(
        _tc_body,
        grid=(3, grid),
        in_specs=[
            pl.BlockSpec((BLK, N), lambda p, j: (j, 0)),
            pl.BlockSpec((N, BLK), lambda p, j: (0, jnp.where(p == 1, j, 0))),
            pl.BlockSpec((BLK, D_IN), lambda p, j: (j, 0)),
            pl.BlockSpec((D_IN, D_HID), lambda p, j: (0, 0)),
            pl.BlockSpec((D_IN, D_HID), lambda p, j: (0, 0)),
            pl.BlockSpec((1, D_HID), lambda p, j: (0, 0)),
            pl.BlockSpec((1, D_HID), lambda p, j: (0, 0)),
        ],
        out_specs=pl.BlockSpec((BLK, 1), lambda p, j: (j, 0)),
        out_shape=jax.ShapeDtypeStruct((N, 1), jnp.float32),
        scratch_shapes=[
            pltpu.VMEM((N, D_IN), jnp.float32),
            pltpu.VMEM((N, D_IN), jnp.float32),
            pltpu.VMEM((N, 1), jnp.float32),
            pltpu.VMEM((N, 1), jnp.float32),
            pltpu.VMEM((N, 1), jnp.float32),
        ],
    )(a_mat, a_mat, x, fc_n_w.T, fc_g_w.T,
      fc_n_b.reshape(1, D_HID), fc_g_b.reshape(1, D_HID))

    return s.reshape(1, N)

# --- scband reference (transcript-rebuilt; emitter-appended) ---
"""Pipeline reference for scband-premmodel-87316685127957 (READ-ONLY COPY).

The authoritative reference and input builder live on the scoring server;
editing this copy changes nothing except your own understanding.
"""

import jax, jax.numpy as jnp
import numpy as np

N_NODES = 2048
N_EDGES = 32768
D_IN = 512
D_HID = 256
K = 2


def _aggregate_neighbors(x, ei0, ei1, num_nodes, k):
    for _ in range(k):
        deg = jnp.clip(jnp.bincount(ei0, length=num_nodes).astype(jnp.float32), 1.0)
        norm = jnp.power(deg, -0.5)
        x = x * norm[:, None]
        gathered = jnp.take(x, ei1, axis=0)
        sums = jax.ops.segment_sum(gathered, ei0, num_segments=num_nodes)
        cnt = jax.ops.segment_sum(jnp.ones((ei0.shape[0],), dtype=jnp.float32), ei0, num_segments=num_nodes)
        mean = sums / jnp.clip(cnt, 1.0)[:, None]
        x = mean * norm[:, None]
    return x


def setup_inputs(seed: int = 0) -> dict:
    key = jax.random.key(seed)
    k1, k2, k3, k4 = jax.random.split(key, 4)
    x = jax.random.normal(k1, (N_NODES, D_IN), dtype=jnp.float32)
    edge_index = jax.random.randint(k2, (2, N_EDGES), 0, N_NODES, dtype=jnp.int64)
    # xavier_uniform-like init for the two Linear layers of the discriminator
    bound = float(np.sqrt(6.0 / (D_IN + D_HID)))
    fc_n_w = jax.random.uniform(k3, (D_HID, D_IN), minval=-bound, maxval=bound, dtype=jnp.float32)
    fc_g_w = jax.random.uniform(k4, (D_HID, D_IN), minval=-bound, maxval=bound, dtype=jnp.float32)
    fc_n_b = jnp.zeros((D_HID,), dtype=jnp.float32)
    fc_g_b = jnp.zeros((D_HID,), dtype=jnp.float32)
    return {"x": x, "edge_index": edge_index, "fc_n_w": fc_n_w, "fc_n_b": fc_n_b, "fc_g_w": fc_g_w, "fc_g_b": fc_g_b}


def reference(x, edge_index, fc_n_w, fc_n_b, fc_g_w, fc_g_b):
    num_nodes = x.shape[0]
    ei0 = edge_index[0]
    ei1 = edge_index[1]
    # _get_diagonal_weight: propagate an NxN identity through k rounds of GCN-style mean aggregation
    identity = jnp.eye(num_nodes, dtype=jnp.float32)
    agg_id = _aggregate_neighbors(identity, ei0, ei1, num_nodes, K)
    weight = jnp.diag(agg_id)
    # _preprocess_graph
    agg_x = _aggregate_neighbors(x, ei0, ei1, num_nodes, K)
    features_weighted = x * weight[:, None]
    eg = agg_x - features_weighted
    # discriminator on detached tensors
    xd = jax.lax.stop_gradient(x)
    egd = jax.lax.stop_gradient(eg)
    a = xd @ fc_n_w.T + fc_n_b
    b = egd @ fc_g_w.T + fc_g_b
    eps = 1e-8
    an = jnp.clip(jnp.linalg.norm(a, axis=1), eps)
    bn = jnp.clip(jnp.linalg.norm(b, axis=1), eps)
    s = jnp.sum(a * b, axis=1) / (an * bn)
    return (-1.0 * s)[None, :]

if __name__ == "__main__":
    import jax
    _d = setup_inputs()
    print(jax.jit(kernel)(*tuple(_d.values())))

</pallas_src>

<mosaic_0001>
#map = affine_map<(d0, d1) -> (0)>
module attributes {stable_mosaic.version = 14 : i64} {
  func.func @_build_adj_body(%arg0: i32, %arg1: i32, %arg2: memref<32768xi32, #tpu.memory_space<hbm>>, %arg3: memref<4194304xf32, #tpu.memory_space<hbm>>, %arg4: memref<65536xf32, #tpu.memory_space<vmem>>, %arg5: memref<32768xi32, #tpu.memory_space<vmem>>) attributes {dimension_semantics = [#tpu.dimension_semantics<core_parallel>, #tpu.dimension_semantics<subcore_parallel>], iteration_bounds = array<i64: 2, 16>, scalar_prefetch = 0 : i64, scratch_operands = 2 : i64, tpu.core_type = #tpu.core_type<sc_vector_subcore>, window_params = [{transform_indices = #map}, {transform_indices = #map}]} {
    %mul3A = arith.constant 2 : i32
    %mul3A_0 = arith.muli %arg1, %mul3A : i32
    %add3A = arith.addi %mul3A_0, %arg0 : i32
    %broadcast_in_dim3A = arith.constant 1.000000e+00 : f32
    %broadcast_in_dim3A_1 = vector.broadcast %broadcast_in_dim3A : f32 to vector<16xf32>
    %broadcast_in_dim3A_2 = arith.constant 0.000000e+00 : f32
    %broadcast_in_dim3A_3 = vector.broadcast %broadcast_in_dim3A_2 : f32 to vector<16xf32>
    "tpu.region"() ({
      %run_scoped3A = tpu.sem_alloc : memref<!tpu.dma_semaphore, #tpu.memory_space<semaphore_mem>>
      tpu.enqueue_dma source(%arg2 : memref<32768xi32, #tpu.memory_space<hbm>>) target(%arg5 : memref<32768xi32, #tpu.memory_space<vmem>>) target_semaphore(%run_scoped3A : memref<!tpu.dma_semaphore, #tpu.memory_space<semaphore_mem>>)
      tpu.wait_dma2 semaphore(%run_scoped3A : memref<!tpu.dma_semaphore, #tpu.memory_space<semaphore_mem>>) src(%arg2 : memref<32768xi32, #tpu.memory_space<hbm>>) dst(%arg5 : memref<32768xi32, #tpu.memory_space<vmem>>)
      tpu.yield
    }) : () -> ()
    %mul3A_4 = arith.constant 32 : i32
    %mul3A_5 = arith.muli %add3A, %mul3A_4 : i32
    %add3A_6 = arith.constant 0 : i32
    %add3A_7 = arith.addi %add3A_6, %mul3A_5 : i32
    %mul3A_8 = arith.constant 2048 : i32
    %mul3A_9 = arith.muli %add3A_7, %mul3A_8 : i32
    %scan3A = arith.constant 0 : i32
    %scan3A_10 = arith.constant 0 : i32
    %scan3A_11 = arith.constant 512 : i32
    %scan3A_12 = arith.addi %scan3A_10, %scan3A_11 : i32
    %scan3A_13 = arith.constant 1 : i32
    scf.for %scan3A_39 = %scan3A_10 to %scan3A_12 step %scan3A_13  : i32 {
      %mul3A_40 = arith.constant 8 : i32
      %mul3A_41 = arith.muli %scan3A_39, %mul3A_40 : i32
      %add3A_42 = arith.constant 0 : i32
      %add3A_43 = arith.addi %mul3A_41, %add3A_42 : i32
      %mul3A_44 = arith.constant 16 : i32
      %mul3A_45 = arith.muli %add3A_43, %mul3A_44 : i32
      %swap3A = arith.index_cast %mul3A_45 : i32 to index
      %swap3A_46 = tpu.vector_load %arg4[%swap3A] {strides = array<i32>} : memref<65536xf32, #tpu.memory_space<vmem>>, vector<16xf32>,
      tpu.vector_store %arg4[%swap3A], %broadcast_in_dim3A_3 {strides = array<i32>} : memref<65536xf32, #tpu.memory_space<vmem>>, vector<16xf32>,
      %mul3A_47 = arith.constant 8 : i32
      %mul3A_48 = arith.muli %scan3A_39, %mul3A_47 : i32
      %add3A_49 = arith.constant 1 : i32
      %add3A_50 = arith.addi %mul3A_48, %add3A_49 : i32
      %mul3A_51 = arith.constant 16 : i32
      %mul3A_52 = arith.muli %add3A_50, %mul3A_51 : i32
      %swap3A_53 = arith.index_cast %mul3A_52 : i32 to index
      %swap3A_54 = tpu.vector_load %arg4[%swap3A_53] {strides = array<i32>} : memref<65536xf32, #tpu.memory_space<vmem>>, vector<16xf32>,
      tpu.vector_store %arg4[%swap3A_53], %broadcast_in_dim3A_3 {strides = array<i32>} : memref<65536xf32, #tpu.memory_space<vmem>>, vector<16xf32>,
      %mul3A_55 = arith.constant 8 : i32
      %mul3A_56 = arith.muli %scan3A_39, %mul3A_55 : i32
      %add3A_57 = arith.constant 2 : i32
      %add3A_58 = arith.addi %mul3A_56, %add3A_57 : i32
      %mul3A_59 = arith.constant 16 : i32
      %mul3A_60 = arith.muli %add3A_58, %mul3A_59 : i32
      %swap3A_61 = arith.index_cast %mul3A_60 : i32 to index
      %swap3A_62 = tpu.vector_load %arg4[%swap3A_61] {strides = array<i32>} : memref<65536xf32, #tpu.memory_space<vmem>>, vector<16xf32>,
      tpu.vector_store %arg4[%swap3A_61], %broadcast_in_dim3A_3 {strides = array<i32>} : memref<65536xf32, #tpu.memory_space<vmem>>, vector<16xf32>,
      %mul3A_63 = arith.constant 8 : i32
      %mul3A_64 = arith.muli %scan3A_39, %mul3A_63 : i32
      %add3A_65 = arith.constant 3 : i32
      %add3A_66 = arith.addi %mul3A_64, %add3A_65 : i32
      %mul3A_67 = arith.constant 16 : i32
      %mul3A_68 = arith.muli %add3A_66, %mul3A_67 : i32
      %swap3A_69 = arith.index_cast %mul3A_68 : i32 to index
      %swap3A_70 = tpu.vector_load %arg4[%swap3A_69] {strides = array<i32>} : memref<65536xf32, #tpu.memory_space<vmem>>, vector<16xf32>,
      tpu.vector_store %arg4[%swap3A_69], %broadcast_in_dim3A_3 {strides = array<i32>} : memref<65536xf32, #tpu.memory_space<vmem>>, vector<16xf32>,
      %mul3A_71 = arith.constant 8 : i32
      %mul3A_72 = arith.muli %scan3A_39, %mul3A_71 : i32
      %add3A_73 = arith.constant 4 : i32
      %add3A_74 = arith.addi %mul3A_72, %add3A_73 : i32
      %mul3A_75 = arith.constant 16 : i32
      %mul3A_76 = arith.muli %add3A_74, %mul3A_75 : i32
      %swap3A_77 = arith.index_cast %mul3A_76 : i32 to index
      %swap3A_78 = tpu.vector_load %arg4[%swap3A_77] {strides = array<i32>} : memref<65536xf32, #tpu.memory_space<vmem>>, vector<16xf32>,
      tpu.vector_store %arg4[%swap3A_77], %broadcast_in_dim3A_3 {strides = array<i32>} : memref<65536xf32, #tpu.memory_space<vmem>>, vector<16xf32>,
      %mul3A_79 = arith.constant 8 : i32
      %mul3A_80 = arith.muli %scan3A_39, %mul3A_79 : i32
      %add3A_81 = arith.constant 5 : i32
      %add3A_82 = arith.addi %mul3A_80, %add3A_81 : i32
      %mul3A_83 = arith.constant 16 : i32
      %mul3A_84 = arith.muli %add3A_82, %mul3A_83 : i32
      %swap3A_85 = arith.index_cast %mul3A_84 : i32 to index
      %swap3A_86 = tpu.vector_load %arg4[%swap3A_85] {strides = array<i32>} : memref<65536xf32, #tpu.memory_space<vmem>>, vector<16xf32>,
      tpu.vector_store %arg4[%swap3A_85], %broadcast_in_dim3A_3 {strides = array<i32>} : memref<65536xf32, #tpu.memory_space<vmem>>, vector<16xf32>,
      %mul3A_87 = arith.constant 8 : i32
      %mul3A_88 = arith.muli %scan3A_39, %mul3A_87 : i32
      %add3A_89 = arith.constant 6 : i32
      %add3A_90 = arith.addi %mul3A_88, %add3A_89 : i32
      %mul3A_91 = arith.constant 16 : i32
      %mul3A_92 = arith.muli %add3A_90, %mul3A_91 : i32
      %swap3A_93 = arith.index_cast %mul3A_92 : i32 to index
      %swap3A_94 = tpu.vector_load %arg4[%swap3A_93] {strides = array<i32>} : memref<65536xf32, #tpu.memory_space<vmem>>, vector<16xf32>,
      tpu.vector_store %arg4[%swap3A_93], %broadcast_in_dim3A_3 {strides = array<i32>} : memref<65536xf32, #tpu.memory_space<vmem>>, vector<16xf32>,
      %mul3A_95 = arith.constant 8 : i32
      %mul3A_96 = arith.muli %scan3A_39, %mul3A_95 : i32
      %add3A_97 = arith.constant 7 : i32
      %add3A_98 = arith.addi %mul3A_96, %add3A_97 : i32
      %mul3A_99 = arith.constant 16 : i32
      %mul3A_100 = arith.muli %add3A_98, %mul3A_99 : i32
      %swap3A_101 = arith.index_cast %mul3A_100 : i32 to index
      %swap3A_102 = tpu.vector_load %arg4[%swap3A_101] {strides = array<i32>} : memref<65536xf32, #tpu.memory_space<vmem>>, vector<16xf32>,
      tpu.vector_store %arg4[%swap3A_101], %broadcast_in_dim3A_3 {strides = array<i32>} : memref<65536xf32, #tpu.memory_space<vmem>>, vector<16xf32>,
    }
    %scan3A_14 = arith.constant 512 : i32
    %scan3A_15 = arith.constant 0 : i32
    %scan3A_16 = arith.constant 0 : i32
    %scan3A_17 = arith.constant 128 : i32
    %scan3A_18 = arith.addi %scan3A_16, %scan3A_17 : i32
    %scan3A_19 = arith.constant 1 : i32
    scf.for %scan3A_39 = %scan3A_16 to %scan3A_18 step %scan3A_19  : i32 {
      %mul3A_40 = arith.constant 16 : i32
      %mul3A_41 = arith.muli %scan3A_39, %mul3A_40 : i32
      %add3A_42 = arith.constant 0 : i32
      %add3A_43 = arith.addi %mul3A_41, %add3A_42 : i32
      %mul3A_44 = arith.constant 16 : i32
      %mul3A_45 = arith.muli %add3A_43, %mul3A_44 : i32
      %get3A = arith.index_cast %mul3A_45 : i32 to index
      %get3A_46 = tpu.vector_load %arg5[%get3A] {strides = array<i32>} : memref<32768xi32, #tpu.memory_space<vmem>>, vector<16xi32>,
      %sub3A = vector.broadcast %mul3A_9 : i32 to vector<16xi32>
      %sub3A_47 = arith.subi %get3A_46, %sub3A : vector<16xi32>
      %bitcast_convert_type3A = tpu.bitcast %sub3A_47 : vector<16xi32> -> vector<16xi32>
      %lt3A = arith.constant 65536 : i32
      %lt3A_48 = vector.broadcast %lt3A : i32 to vector<16xi32>
      %lt3A_49 = arith.cmpi ult, %bitcast_convert_type3A, %lt3A_48 : vector<16xi32>
      tpu.vector_store_idx %arg4[%sub3A_47], %broadcast_in_dim3A_1 masked %lt3A_49 {add = true} : memref<65536xf32, #tpu.memory_space<vmem>>[vector<16xi32>], vector<16xf32>, vector<16xi1>
      %mul3A_50 = arith.constant 16 : i32
      %mul3A_51 = arith.muli %scan3A_39, %mul3A_50 : i32
      %add3A_52 = arith.constant 1 : i32
      %add3A_53 = arith.addi %mul3A_51, %add3A_52 : i32
      %mul3A_54 = arith.constant 16 : i32
      %mul3A_55 = arith.muli %add3A_53, %mul3A_54 : i32
      %get3A_56 = arith.index_cast %mul3A_55 : i32 to index
      %get3A_57 = tpu.vector_load %arg5[%get3A_56] {strides = array<i32>} : memref<32768xi32, #tpu.memory_space<vmem>>, vector<16xi32>,
      %sub3A_58 = vector.broadcast %mul3A_9 : i32 to vector<16xi32>
      %sub3A_59 = arith.subi %get3A_57, %sub3A_58 : vector<16xi32>
      %bitcast_convert_type3A_60 = tpu.bitcast %sub3A_59 : vector<16xi32> -> vector<16xi32>
      %lt3A_61 = arith.constant 65536 : i32
      %lt3A_62 = vector.broadcast %lt3A_61 : i32 to vector<16xi32>
      %lt3A_63 = arith.cmpi ult, %bitcast_convert_type3A_60, %lt3A_62 : vector<16xi32>
      tpu.vector_store_idx %arg4[%sub3A_59], %broadcast_in_dim3A_1 masked %lt3A_63 {add = true} : memref<65536xf32, #tpu.memory_space<vmem>>[vector<16xi32>], vector<16xf32>, vector<16xi1>
      %mul3A_64 = arith.constant 16 : i32
      %mul3A_65 = arith.muli %scan3A_39, %mul3A_64 : i32
      %add3A_66 = arith.constant 2 : i32
      %add3A_67 = arith.addi %mul3A_65, %add3A_66 : i32
      %mul3A_68 = arith.constant 16 : i32
      %mul3A_69 = arith.muli %add3A_67, %mul3A_68 : i32
      %get3A_70 = arith.index_cast %mul3A_69 : i32 to index
      %get3A_71 = tpu.vector_load %arg5[%get3A_70] {strides = array<i32>} : memref<32768xi32, #tpu.memory_space<vmem>>, vector<16xi32>,
      %sub3A_72 = vector.broadcast %mul3A_9 : i32 to vector<16xi32>
      %sub3A_73 = arith.subi %get3A_71, %sub3A_72 : vector<16xi32>
      %bitcast_convert_type3A_74 = tpu.bitcast %sub3A_73 : vector<16xi32> -> vector<16xi32>
      %lt3A_75 = arith.constant 65536 : i32
      %lt3A_76 = vector.broadcast %lt3A_75 : i32 to vector<16xi32>
      %lt3A_77 = arith.cmpi ult, %bitcast_convert_type3A_74, %lt3A_76 : vector<16xi32>
      tpu.vector_store_idx %arg4[%sub3A_73], %broadcast_in_dim3A_1 masked %lt3A_77 {add = true} : memref<65536xf32, #tpu.memory_space<vmem>>[vector<16xi32>], vector<16xf32>, vector<16xi1>
      %mul3A_78 = arith.constant 16 : i32
      %mul3A_79 = arith.muli %scan3A_39, %mul3A_78 : i32
      %add3A_80 = arith.constant 3 : i32
      %add3A_81 = arith.addi %mul3A_79, %add3A_80 : i32
      %mul3A_82 = arith.constant 16 : i32
      %mul3A_83 = arith.muli %add3A_81, %mul3A_82 : i32
      %get3A_84 = arith.index_cast %mul3A_83 : i32 to index
      %get3A_85 = tpu.vector_load %arg5[%get3A_84] {strides = array<i32>} : memref<32768xi32, #tpu.memory_space<vmem>>, vector<16xi32>,
      %sub3A_86 = vector.broadcast %mul3A_9 : i32 to vector<16xi32>
      %sub3A_87 = arith.subi %get3A_85, %sub3A_86 : vector<16xi32>
      %bitcast_convert_type3A_88 = tpu.bitcast %sub3A_87 : vector<16xi32> -> vector<16xi32>
      %lt3A_89 = arith.constant 65536 : i32
      %lt3A_90 = vector.broadcast %lt3A_89 : i32 to vector<16xi32>
      %lt3A_91 = arith.cmpi ult, %bitcast_convert_type3A_88, %lt3A_90 : vector<16xi32>
      tpu.vector_store_idx %arg4[%sub3A_87], %broadcast_in_dim3A_1 masked %lt3A_91 {add = true} : memref<65536xf32, #tpu.memory_space<vmem>>[vector<16xi32>], vector<16xf32>, vector<16xi1>
      %mul3A_92 = arith.constant 16 : i32
      %mul3A_93 = arith.muli %scan3A_39, %mul3A_92 : i32
      %add3A_94 = arith.constant 4 : i32
      %add3A_95 = arith.addi %mul3A_93, %add3A_94 : i32
      %mul3A_96 = arith.constant 16 : i32
      %mul3A_97 = arith.muli %add3A_95, %mul3A_96 : i32
      %get3A_98 = arith.index_cast %mul3A_97 : i32 to index
      %get3A_99 = tpu.vector_load %arg5[%get3A_98] {strides = array<i32>} : memref<32768xi32, #tpu.memory_space<vmem>>, vector<16xi32>,
      %sub3A_100 = vector.broadcast %mul3A_9 : i32 to vector<16xi32>
      %sub3A_101 = arith.subi %get3A_99, %sub3A_100 : vector<16xi32>
      %bitcast_convert_type3A_102 = tpu.bitcast %sub3A_101 : vector<16xi32> -> vector<16xi32>
      %lt3A_103 = arith.constant 65536 : i32
      %lt3A_104 = vector.broadcast %lt3A_103 : i32 to vector<16xi32>
      %lt3A_105 = arith.cmpi ult, %bitcast_convert_type3A_102, %lt3A_104 : vector<16xi32>
      tpu.vector_store_idx %arg4[%sub3A_101], %broadcast_in_dim3A_1 masked %lt3A_105 {add = true} : memref<65536xf32, #tpu.memory_space<vmem>>[vector<16xi32>], vector<16xf32>, vector<16xi1>
      %mul3A_106 = arith.constant 16 : i32
      %mul3A_107 = arith.muli %scan3A_39, %mul3A_106 : i32
      %add3A_108 = arith.constant 5 : i32
      %add3A_109 = arith.addi %mul3A_107, %add3A_108 : i32
      %mul3A_110 = arith.constant 16 : i32
      %mul3A_111 = arith.muli %add3A_109, %mul3A_110 : i32
      %get3A_112 = arith.index_cast %mul3A_111 : i32 to index
      %get3A_113 = tpu.vector_load %arg5[%get3A_112] {strides = array<i32>} : memref<32768xi32, #tpu.memory_space<vmem>>, vector<16xi32>,
      %sub3A_114 = vector.broadcast %mul3A_9 : i32 to vector<16xi32>
      %sub3A_115 = arith.subi %get3A_113, %sub3A_114 : vector<16xi32>
      %bitcast_convert_type3A_116 = tpu.bitcast %sub3A_115 : vector<16xi32> -> vector<16xi32>
      %lt3A_117 = arith.constant 65536 : i32
      %lt3A_118 = vector.broadcast %lt3A_117 : i32 to vector<16xi32>
      %lt3A_119 = arith.cmpi ult, %bitcast_convert_type3A_116, %lt3A_118 : vector<16xi32>
      tpu.vector_store_idx %arg4[%sub3A_115], %broadcast_in_dim3A_1 masked %lt3A_119 {add = true} : memref<65536xf32, #tpu.memory_space<vmem>>[vector<16xi32>], vector<16xf32>, vector<16xi1>
      %mul3A_120 = arith.constant 16 : i32
      %mul3A_121 = arith.muli %scan3A_39, %mul3A_120 : i32
      %add3A_122 = arith.constant 6 : i32
      %add3A_123 = arith.addi %mul3A_121, %add3A_122 : i32
      %mul3A_124 = arith.constant 16 : i32
      %mul3A_125 = arith.muli %add3A_123, %mul3A_124 : i32
      %get3A_126 = arith.index_cast %mul3A_125 : i32 to index
      %get3A_127 = tpu.vector_load %arg5[%get3A_126] {strides = array<i32>} : memref<32768xi32, #tpu.memory_space<vmem>>, vector<16xi32>,
      %sub3A_128 = vector.broadcast %mul3A_9 : i32 to vector<16xi32>
      %sub3A_129 = arith.subi %get3A_127, %sub3A_128 : vector<16xi32>
      %bitcast_convert_type3A_130 = tpu.bitcast %sub3A_129 : vector<16xi32> -> vector<16xi32>
      %lt3A_131 = arith.constant 65536 : i32
      %lt3A_132 = vector.broadcast %lt3A_131 : i32 to vector<16xi32>
      %lt3A_133 = arith.cmpi ult, %bitcast_convert_type3A_130, %lt3A_132 : vector<16xi32>
      tpu.vector_store_idx %arg4[%sub3A_129], %broadcast_in_dim3A_1 masked %lt3A_133 {add = true} : memref<65536xf32, #tpu.memory_space<vmem>>[vector<16xi32>], vector<16xf32>, vector<16xi1>
      %mul3A_134 = arith.constant 16 : i32
      %mul3A_135 = arith.muli %scan3A_39, %mul3A_134 : i32
      %add3A_136 = arith.constant 7 : i32
      %add3A_137 = arith.addi %mul3A_135, %add3A_136 : i32
      %mul3A_138 = arith.constant 16 : i32
      %mul3A_139 = arith.muli %add3A_137, %mul3A_138 : i32
      %get3A_140 = arith.index_cast %mul3A_139 : i32 to index
      %get3A_141 = tpu.vector_load %arg5[%get3A_140] {strides = array<i32>} : memref<32768xi32, #tpu.memory_space<vmem>>, vector<16xi32>,
      %sub3A_142 = vector.broadcast %mul3A_9 : i32 to vector<16xi32>
      %sub3A_143 = arith.subi %get3A_141, %sub3A_142 : vector<16xi32>
      %bitcast_convert_type3A_144 = tpu.bitcast %sub3A_143 : vector<16xi32> -> vector<16xi32>
      %lt3A_145 = arith.constant 65536 : i32
      %lt3A_146 = vector.broadcast %lt3A_145 : i32 to vector<16xi32>
      %lt3A_147 = arith.cmpi ult, %bitcast_convert_type3A_144, %lt3A_146 : vector<16xi32>
      tpu.vector_store_idx %arg4[%sub3A_143], %broadcast_in_dim3A_1 masked %lt3A_147 {add = true} : memref<65536xf32, #tpu.memory_space<vmem>>[vector<16xi32>], vector<16xf32>, vector<16xi1>
      %mul3A_148 = arith.constant 16 : i32
      %mul3A_149 = arith.muli %scan3A_39, %mul3A_148 : i32
      %add3A_150 = arith.constant 8 : i32
      %add3A_151 = arith.addi %mul3A_149, %add3A_150 : i32
      %mul3A_152 = arith.constant 16 : i32
      %mul3A_153 = arith.muli %add3A_151, %mul3A_152 : i32
      %get3A_154 = arith.index_cast %mul3A_153 : i32 to index
      %get3A_155 = tpu.vector_load %arg5[%get3A_154] {strides = array<i32>} : memref<32768xi32, #tpu.memory_space<vmem>>, vector<16xi32>,
      %sub3A_156 = vector.broadcast %mul3A_9 : i32 to vector<16xi32>
      %sub3A_157 = arith.subi %get3A_155, %sub3A_156 : vector<16xi32>
      %bitcast_convert_type3A_158 = tpu.bitcast %sub3A_157 : vector<16xi32> -> vector<16xi32>
      %lt3A_159 = arith.constant 65536 : i32
      %lt3A_160 = vector.broadcast %lt3A_159 : i32 to vector<16xi32>
      %lt3A_161 = arith.cmpi ult, %bitcast_convert_type3A_158, %lt3A_160 : vector<16xi32>
      tpu.vector_store_idx %arg4[%sub3A_157], %broadcast_in_dim3A_1 masked %lt3A_161 {add = true} : memref<65536xf32, #tpu.memory_space<vmem>>[vector<16xi32>], vector<16xf32>, vector<16xi1>
      %mul3A_162 = arith.constant 16 : i32
      %mul3A_163 = arith.muli %scan3A_39, %mul3A_162 : i32
      %add3A_164 = arith.constant 9 : i32
      %add3A_165 = arith.addi %mul3A_163, %add3A_164 : i32
      %mul3A_166 = arith.constant 16 : i32
      %mul3A_167 = arith.muli %add3A_165, %mul3A_166 : i32
      %get3A_168 = arith.index_cast %mul3A_167 : i32 to index
      %get3A_169 = tpu.vector_load %arg5[%get3A_168] {strides = array<i32>} : memref<32768xi32, #tpu.memory_space<vmem>>, vector<16xi32>,
      %sub3A_170 = vector.broadcast %mul3A_9 : i32 to vector<16xi32>
      %sub3A_171 = arith.subi %get3A_169, %sub3A_170 : vector<16xi32>
      %bitcast_convert_type3A_172 = tpu.bitcast %sub3A_171 : vector<16xi32> -> vector<16xi32>
      %lt3A_173 = arith.constant 65536 : i32
      %lt3A_174 = vector.broadcast %lt3A_173 : i32 to vector<16xi32>
      %lt3A_175 = arith.cmpi ult, %bitcast_convert_type3A_172, %lt3A_174 : vector<16xi32>
      tpu.vector_store_idx %arg4[%sub3A_171], %broadcast_in_dim3A_1 masked %lt3A_175 {add = true} : memref<65536xf32, #tpu.memory_space<vmem>>[vector<16xi32>], vector<16xf32>, vector<16xi1>
      %mul3A_176 = arith.constant 16 : i32
      %mul3A_177 = arith.muli %scan3A_39, %mul3A_176 : i32
      %add3A_178 = arith.constant 10 : i32
      %add3A_179 = arith.addi %mul3A_177, %add3A_178 : i32
      %mul3A_180 = arith.constant 16 : i32
      %mul3A_181 = arith.muli %add3A_179, %mul3A_180 : i32
      %get3A_182 = arith.index_cast %mul3A_181 : i32 to index
      %get3A_183 = tpu.vector_load %arg5[%get3A_182] {strides = array<i32>} : memref<32768xi32, #tpu.memory_space<vmem>>, vector<16xi32>,
      %sub3A_184 = vector.broadcast %mul3A_9 : i32 to vector<16xi32>
      %sub3A_185 = arith.subi %get3A_183, %sub3A_184 : vector<16xi32>
      %bitcast_convert_type3A_186 = tpu.bitcast %sub3A_185 : vector<16xi32> -> vector<16xi32>
      %lt3A_187 = arith.constant 65536 : i32
      %lt3A_188 = vector.broadcast %lt3A_187 : i32 to vector<16xi32>
      %lt3A_189 = arith.cmpi ult, %bitcast_convert_type3A_186, %lt3A_188 : vector<16xi32>
      tpu.vector_store_idx %arg4[%sub3A_185], %broadcast_in_dim3A_1 masked %lt3A_189 {add = true} : memref<65536xf32, #tpu.memory_space<vmem>>[vector<16xi32>], vector<16xf32>, vector<16xi1>
      %mul3A_190 = arith.constant 16 : i32
      %mul3A_191 = arith.muli %scan3A_39, %mul3A_190 : i32
      %add3A_192 = arith.constant 11 : i32
      %add3A_193 = arith.addi %mul3A_191, %add3A_192 : i32
      %mul3A_194 = arith.constant 16 : i32
      %mul3A_195 = arith.muli %add3A_193, %mul3A_194 : i32
      %get3A_196 = arith.index_cast %mul3A_195 : i32 to index
      %get3A_197 = tpu.vector_load %arg5[%get3A_196] {strides = array<i32>} : memref<32768xi32, #tpu.memory_space<vmem>>, vector<16xi32>,
      %sub3A_198 = vector.broadcast %mul3A_9 : i32 to vector<16xi32>
      %sub3A_199 = arith.subi %get3A_197, %sub3A_198 : vector<16xi32>
      %bitcast_convert_type3A_200 = tpu.bitcast %sub3A_199 : vector<16xi32> -> vector<16xi32>
      %lt3A_201 = arith.constant 65536 : i32
      %lt3A_202 = vector.broadcast %lt3A_201 : i32 to vector<16xi32>
      %lt3A_203 = arith.cmpi ult, %bitcast_convert_type3A_200, %lt3A_202 : vector<16xi32>
      tpu.vector_store_idx %arg4[%sub3A_199], %broadcast_in_dim3A_1 masked %lt3A_203 {add = true} : memref<65536xf32, #tpu.memory_space<vmem>>[vector<16xi32>], vector<16xf32>, vector<16xi1>
      %mul3A_204 = arith.constant 16 : i32
      %mul3A_205 = arith.muli %scan3A_39, %mul3A_204 : i32
      %add3A_206 = arith.constant 12 : i32
      %add3A_207 = arith.addi %mul3A_205, %add3A_206 : i32
      %mul3A_208 = arith.constant 16 : i32
      %mul3A_209 = arith.muli %add3A_207, %mul3A_208 : i32
      %get3A_210 = arith.index_cast %mul3A_209 : i32 to index
      %get3A_211 = tpu.vector_load %arg5[%get3A_210] {strides = array<i32>} : memref<32768xi32, #tpu.memory_space<vmem>>, vector<16xi32>,
      %sub3A_212 = vector.broadcast %mul3A_9 : i32 to vector<16xi32>
      %sub3A_213 = arith.subi %get3A_211, %sub3A_212 : vector<16xi32>
      %bitcast_convert_type3A_214 = tpu.bitcast %sub3A_213 : vector<16xi32> -> vector<16xi32>
      %lt3A_215 = arith.constant 65536 : i32
      %lt3A_216 = vector.broadcast %lt3A_215 : i32 to vector<16xi32>
      %lt3A_217 = arith.cmpi ult, %bitcast_convert_type3A_214, %lt3A_216 : vector<16xi32>
      tpu.vector_store_idx %arg4[%sub3A_213], %broadcast_in_dim3A_1 masked %lt3A_217 {add = true} : memref<65536xf32, #tpu.memory_space<vmem>>[vector<16xi32>], vector<16xf32>, vector<16xi1>
      %mul3A_218 = arith.constant 16 : i32
      %mul3A_219 = arith.muli %scan3A_39, %mul3A_218 : i32
      %add3A_220 = arith.constant 13 : i32
      %add3A_221 = arith.addi %mul3A_219, %add3A_220 : i32
      %mul3A_222 = arith.constant 16 : i32
      %mul3A_223 = arith.muli %add3A_221, %mul3A_222 : i32
      %get3A_224 = arith.index_cast %mul3A_223 : i32 to index
      %get3A_225 = tpu.vector_load %arg5[%get3A_224] {strides = array<i32>} : memref<32768xi32, #tpu.memory_space<vmem>>, vector<16xi32>,
      %sub3A_226 = vector.broadcast %mul3A_9 : i32 to vector<16xi32>
      %sub3A_227 = arith.subi %get3A_225, %sub3A_226 : vector<16xi32>
      %bitcast_convert_type3A_228 = tpu.bitcast %sub3A_227 : vector<16xi32> -> vector<16xi32>
      %lt3A_229 = arith.constant 65536 : i32
      %lt3A_230 = vector.broadcast %lt3A_229 : i32 to vector<16xi32>
      %lt3A_231 = arith.cmpi ult, %bitcast_convert_type3A_228, %lt3A_230 : vector<16xi32>
      tpu.vector_store_idx %arg4[%sub3A_227], %broadcast_in_dim3A_1 masked %lt3A_231 {add = true} : memref<65536xf32, #tpu.memory_space<vmem>>[vector<16xi32>], vector<16xf32>, vector<16xi1>
      %mul3A_232 = arith.constant 16 : i32
      %mul3A_233 = arith.muli %scan3A_39, %mul3A_232 : i32
      %add3A_234 = arith.constant 14 : i32
      %add3A_235 = arith.addi %mul3A_233, %add3A_234 : i32
      %mul3A_236 = arith.constant 16 : i32
      %mul3A_237 = arith.muli %add3A_235, %mul3A_236 : i32
      %get3A_238 = arith.index_cast %mul3A_237 : i32 to index
      %get3A_239 = tpu.vector_load %arg5[%get3A_238] {strides = array<i32>} : memref<32768xi32, #tpu.memory_space<vmem>>, vector<16xi32>,
      %sub3A_240 = vector.broadcast %mul3A_9 : i32 to vector<16xi32>
      %sub3A_241 = arith.subi %get3A_239, %sub3A_240 : vector<16xi32>
      %bitcast_convert_type3A_242 = tpu.bitcast %sub3A_241 : vector<16xi32> -> vector<16xi32>
      %lt3A_243 = arith.constant 65536 : i32
      %lt3A_244 = vector.broadcast %lt3A_243 : i32 to vector<16xi32>
      %lt3A_245 = arith.cmpi ult, %bitcast_convert_type3A_242, %lt3A_244 : vector<16xi32>
      tpu.vector_store_idx %arg4[%sub3A_241], %broadcast_in_dim3A_1 masked %lt3A_245 {add = true} : memref<65536xf32, #tpu.memory_space<vmem>>[vector<16xi32>], vector<16xf32>, vector<16xi1>
      %mul3A_246 = arith.constant 16 : i32
      %mul3A_247 = arith.muli %scan3A_39, %mul3A_246 : i32
      %add3A_248 = arith.constant 15 : i32
      %add3A_249 = arith.addi %mul3A_247, %add3A_248 : i32
      %mul3A_250 = arith.constant 16 : i32
      %mul3A_251 = arith.muli %add3A_249, %mul3A_250 : i32
      %get3A_252 = arith.index_cast %mul3A_251 : i32 to index
      %get3A_253 = tpu.vector_load %arg5[%get3A_252] {strides = array<i32>} : memref<32768xi32, #tpu.memory_space<vmem>>, vector<16xi32>,
      %sub3A_254 = vector.broadcast %mul3A_9 : i32 to vector<16xi32>
      %sub3A_255 = arith.subi %get3A_253, %sub3A_254 : vector<16xi32>
      %bitcast_convert_type3A_256 = tpu.bitcast %sub3A_255 : vector<16xi32> -> vector<16xi32>
      %lt3A_257 = arith.constant 65536 : i32
      %lt3A_258 = vector.broadcast %lt3A_257 : i32 to vector<16xi32>
      %lt3A_259 = arith.cmpi ult, %bitcast_convert_type3A_256, %lt3A_258 : vector<16xi32>
      tpu.vector_store_idx %arg4[%sub3A_255], %broadcast_in_dim3A_1 masked %lt3A_259 {add = true} : memref<65536xf32, #tpu.memory_space<vmem>>[vector<16xi32>], vector<16xf32>, vector<16xi1>
    }
    %scan3A_20 = arith.constant 128 : i32
    "tpu.region"() ({
      %run_scoped3A = tpu.sem_alloc : memref<!tpu.dma_semaphore, #tpu.memory_space<semaphore_mem>>
      %dma_start3A = tpu.memref_slice %arg3[%mul3A_9] : memref<4194304xf32, #tpu.memory_space<hbm>> -> memref<65536xf32, #tpu.memory_space<hbm>>
      %dma_start3A_39 = tpu.memref_slice %arg3[%mul3A_9] : memref<4194304xf32, #tpu.memory_space<hbm>> -> memref<65536xf32, #tpu.memory_space<hbm>>
      tpu.enqueue_dma source(%arg4 : memref<65536xf32, #tpu.memory_space<vmem>>) target(%dma_start3A_39 : memref<65536xf32, #tpu.memory_space<hbm>>) target_semaphore(%run_scoped3A : memref<!tpu.dma_semaphore, #tpu.memory_space<semaphore_mem>>)
      %dma_wait3A = tpu.memref_slice %arg3[%mul3A_9] : memref<4194304xf32, #tpu.memory_space<hbm>> -> memref<65536xf32, #tpu.memory_space<hbm>>
      %dma_wait3A_40 = tpu.memref_slice %arg3[%mul3A_9] : memref<4194304xf32, #tpu.memory_space<hbm>> -> memref<65536xf32, #tpu.memory_space<hbm>>
      tpu.wait_dma2 semaphore(%run_scoped3A : memref<!tpu.dma_semaphore, #tpu.memory_space<semaphore_mem>>) src(%arg4 : memref<65536xf32, #tpu.memory_space<vmem>>) dst(%dma_wait3A_40 : memref<65536xf32, #tpu.memory_space<hbm>>)
      tpu.yield
    }) : () -> ()
    %mul3A_21 = arith.constant 32 : i32
    %mul3A_22 = arith.muli %add3A, %mul3A_21 : i32
    %add3A_23 = arith.constant 1024 : i32
    %add3A_24 = arith.addi %add3A_23, %mul3A_22 : i32
    %mul3A_25 = arith.constant 2048 : i32
    %mul3A_26 = arith.muli %add3A_24, %mul3A_25 : i32
    %scan3A_27 = arith.constant 0 : i32
    %scan3A_28 = arith.constant 0 : i32
    %scan3A_29 = arith.constant 512 : i32
    %scan3A_30 = arith.addi %scan3A_28, %scan3A_29 : i32
    %scan3A_31 = arith.constant 1 : i32
    scf.for %scan3A_39 = %scan3A_28 to %scan3A_30 step %scan3A_31  : i32 {
      %mul3A_40 = arith.constant 8 : i32
      %mul3A_41 = arith.muli %scan3A_39, %mul3A_40 : i32
      %add3A_42 = arith.constant 0 : i32
      %add3A_43 = arith.addi %mul3A_41, %add3A_42 : i32
      %mul3A_44 = arith.constant 16 : i32
      %mul3A_45 = arith.muli %add3A_43, %mul3A_44 : i32
      %swap3A = arith.index_cast %mul3A_45 : i32 to index
      %swap3A_46 = tpu.vector_load %arg4[%swap3A] {strides = array<i32>} : memref<65536xf32, #tpu.memory_space<vmem>>, vector<16xf32>,
      tpu.vector_store %arg4[%swap3A], %broadcast_in_dim3A_3 {strides = array<i32>} : memref<65536xf32, #tpu.memory_space<vmem>>, vector<16xf32>,
      %mul3A_47 = arith.constant 8 : i32
      %mul3A_48 = arith.muli %scan3A_39, %mul3A_47 : i32
      %add3A_49 = arith.constant 1 : i32
      %add3A_50 = arith.addi %mul3A_48, %add3A_49 : i32
      %mul3A_51 = arith.constant 16 : i32
      %mul3A_52 = arith.muli %add3A_50, %mul3A_51 : i32
      %swap3A_53 = arith.index_cast %mul3A_52 : i32 to index
      %swap3A_54 = tpu.vector_load %arg4[%swap3A_53] {strides = array<i32>} : memref<65536xf32, #tpu.memory_space<vmem>>, vector<16xf32>,
      tpu.vector_store %arg4[%swap3A_53], %broadcast_in_dim3A_3 {strides = array<i32>} : memref<65536xf32, #tpu.memory_space<vmem>>, vector<16xf32>,
      %mul3A_55 = arith.constant 8 : i32
      %mul3A_56 = arith.muli %scan3A_39, %mul3A_55 : i32
      %add3A_57 = arith.constant 2 : i32
      %add3A_58 = arith.addi %mul3A_56, %add3A_57 : i32
      %mul3A_59 = arith.constant 16 : i32
      %mul3A_60 = arith.muli %add3A_58, %mul3A_59 : i32
      %swap3A_61 = arith.index_cast %mul3A_60 : i32 to index
      %swap3A_62 = tpu.vector_load %arg4[%swap3A_61] {strides = array<i32>} : memref<65536xf32, #tpu.memory_space<vmem>>, vector<16xf32>,
      tpu.vector_store %arg4[%swap3A_61], %broadcast_in_dim3A_3 {strides = array<i32>} : memref<65536xf32, #tpu.memory_space<vmem>>, vector<16xf32>,
      %mul3A_63 = arith.constant 8 : i32
      %mul3A_64 = arith.muli %scan3A_39, %mul3A_63 : i32
      %add3A_65 = arith.constant 3 : i32
      %add3A_66 = arith.addi %mul3A_64, %add3A_65 : i32
      %mul3A_67 = arith.constant 16 : i32
      %mul3A_68 = arith.muli %add3A_66, %mul3A_67 : i32
      %swap3A_69 = arith.index_cast %mul3A_68 : i32 to index
      %swap3A_70 = tpu.vector_load %arg4[%swap3A_69] {strides = array<i32>} : memref<65536xf32, #tpu.memory_space<vmem>>, vector<16xf32>,
      tpu.vector_store %arg4[%swap3A_69], %broadcast_in_dim3A_3 {strides = array<i32>} : memref<65536xf32, #tpu.memory_space<vmem>>, vector<16xf32>,
      %mul3A_71 = arith.constant 8 : i32
      %mul3A_72 = arith.muli %scan3A_39, %mul3A_71 : i32
      %add3A_73 = arith.constant 4 : i32
      %add3A_74 = arith.addi %mul3A_72, %add3A_73 : i32
      %mul3A_75 = arith.constant 16 : i32
      %mul3A_76 = arith.muli %add3A_74, %mul3A_75 : i32
      %swap3A_77 = arith.index_cast %mul3A_76 : i32 to index
      %swap3A_78 = tpu.vector_load %arg4[%swap3A_77] {strides = array<i32>} : memref<65536xf32, #tpu.memory_space<vmem>>, vector<16xf32>,
      tpu.vector_store %arg4[%swap3A_77], %broadcast_in_dim3A_3 {strides = array<i32>} : memref<65536xf32, #tpu.memory_space<vmem>>, vector<16xf32>,
      %mul3A_79 = arith.constant 8 : i32
      %mul3A_80 = arith.muli %scan3A_39, %mul3A_79 : i32
      %add3A_81 = arith.constant 5 : i32
      %add3A_82 = arith.addi %mul3A_80, %add3A_81 : i32
      %mul3A_83 = arith.constant 16 : i32
      %mul3A_84 = arith.muli %add3A_82, %mul3A_83 : i32
      %swap3A_85 = arith.index_cast %mul3A_84 : i32 to index
      %swap3A_86 = tpu.vector_load %arg4[%swap3A_85] {strides = array<i32>} : memref<65536xf32, #tpu.memory_space<vmem>>, vector<16xf32>,
      tpu.vector_store %arg4[%swap3A_85], %broadcast_in_dim3A_3 {strides = array<i32>} : memref<65536xf32, #tpu.memory_space<vmem>>, vector<16xf32>,
      %mul3A_87 = arith.constant 8 : i32
      %mul3A_88 = arith.muli %scan3A_39, %mul3A_87 : i32
      %add3A_89 = arith.constant 6 : i32
      %add3A_90 = arith.addi %mul3A_88, %add3A_89 : i32
      %mul3A_91 = arith.constant 16 : i32
      %mul3A_92 = arith.muli %add3A_90, %mul3A_91 : i32
      %swap3A_93 = arith.index_cast %mul3A_92 : i32 to index
      %swap3A_94 = tpu.vector_load %arg4[%swap3A_93] {strides = array<i32>} : memref<65536xf32, #tpu.memory_space<vmem>>, vector<16xf32>,
      tpu.vector_store %arg4[%swap3A_93], %broadcast_in_dim3A_3 {strides = array<i32>} : memref<65536xf32, #tpu.memory_space<vmem>>, vector<16xf32>,
      %mul3A_95 = arith.constant 8 : i32
      %mul3A_96 = arith.muli %scan3A_39, %mul3A_95 : i32
      %add3A_97 = arith.constant 7 : i32
      %add3A_98 = arith.addi %mul3A_96, %add3A_97 : i32
      %mul3A_99 = arith.constant 16 : i32
      %mul3A_100 = arith.muli %add3A_98, %mul3A_99 : i32
      %swap3A_101 = arith.index_cast %mul3A_100 : i32 to index
      %swap3A_102 = tpu.vector_load %arg4[%swap3A_101] {strides = array<i32>} : memref<65536xf32, #tpu.memory_space<vmem>>, vector<16xf32>,
      tpu.vector_store %arg4[%swap3A_101], %broadcast_in_dim3A_3 {strides = array<i32>} : memref<65536xf32, #tpu.memory_space<vmem>>, vector<16xf32>,
    }
    %scan3A_32 = arith.constant 512 : i32
    %scan3A_33 = arith.constant 0 : i32
    %scan3A_34 = arith.constant 0 : i32
    %scan3A_35 = arith.constant 128 : i32
    %scan3A_36 = arith.addi %scan3A_34, %scan3A_35 : i32
    %scan3A_37 = arith.constant 1 : i32
    scf.for %scan3A_39 = %scan3A_34 to %scan3A_36 step %scan3A_37  : i32 {
      %mul3A_40 = arith.constant 16 : i32
      %mul3A_41 = arith.muli %scan3A_39, %mul3A_40 : i32
      %add3A_42 = arith.constant 0 : i32
      %add3A_43 = arith.addi %mul3A_41, %add3A_42 : i32
      %mul3A_44 = arith.constant 16 : i32
      %mul3A_45 = arith.muli %add3A_43, %mul3A_44 : i32
      %get3A = arith.index_cast %mul3A_45 : i32 to index
      %get3A_46 = tpu.vector_load %arg5[%get3A] {strides = array<i32>} : memref<32768xi32, #tpu.memory_space<vmem>>, vector<16xi32>,
      %sub3A = vector.broadcast %mul3A_26 : i32 to vector<16xi32>
      %sub3A_47 = arith.subi %get3A_46, %sub3A : vector<16xi32>
      %bitcast_convert_type3A = tpu.bitcast %sub3A_47 : vector<16xi32> -> vector<16xi32>
      %lt3A = arith.constant 65536 : i32
      %lt3A_48 = vector.broadcast %lt3A : i32 to vector<16xi32>
      %lt3A_49 = arith.cmpi ult, %bitcast_convert_type3A, %lt3A_48 : vector<16xi32>
      tpu.vector_store_idx %arg4[%sub3A_47], %broadcast_in_dim3A_1 masked %lt3A_49 {add = true} : memref<65536xf32, #tpu.memory_space<vmem>>[vector<16xi32>], vector<16xf32>, vector<16xi1>
      %mul3A_50 = arith.constant 16 : i32
      %mul3A_51 = arith.muli %scan3A_39, %mul3A_50 : i32
      %add3A_52 = arith.constant 1 : i32
      %add3A_53 = arith.addi %mul3A_51, %add3A_52 : i32
      %mul3A_54 = arith.constant 16 : i32
      %mul3A_55 = arith.muli %add3A_53, %mul3A_54 : i32
      %get3A_56 = arith.index_cast %mul3A_55 : i32 to index
      %get3A_57 = tpu.vector_load %arg5[%get3A_56] {strides = array<i32>} : memref<32768xi32, #tpu.memory_space<vmem>>, vector<16xi32>,
      %sub3A_58 = vector.broadcast %mul3A_26 : i32 to vector<16xi32>
      %sub3A_59 = arith.subi %get3A_57, %sub3A_58 : vector<16xi32>
      %bitcast_convert_type3A_60 = tpu.bitcast %sub3A_59 : vector<16xi32> -> vector<16xi32>
      %lt3A_61 = arith.constant 65536 : i32
      %lt3A_62 = vector.broadcast %lt3A_61 : i32 to vector<16xi32>
      %lt3A_63 = arith.cmpi ult, %bitcast_convert_type3A_60, %lt3A_62 : vector<16xi32>
      tpu.vector_store_idx %arg4[%sub3A_59], %broadcast_in_dim3A_1 masked %lt3A_63 {add = true} : memref<65536xf32, #tpu.memory_space<vmem>>[vector<16xi32>], vector<16xf32>, vector<16xi1>
      %mul3A_64 = arith.constant 16 : i32
      %mul3A_65 = arith.muli %scan3A_39, %mul3A_64 : i32
      %add3A_66 = arith.constant 2 : i32
      %add3A_67 = arith.addi %mul3A_65, %add3A_66 : i32
      %mul3A_68 = arith.constant 16 : i32
      %mul3A_69 = arith.muli %add3A_67, %mul3A_68 : i32
      %get3A_70 = arith.index_cast %mul3A_69 : i32 to index
      %get3A_71 = tpu.vector_load %arg5[%get3A_70] {strides = array<i32>} : memref<32768xi32, #tpu.memory_space<vmem>>, vector<16xi32>,
      %sub3A_72 = vector.broadcast %mul3A_26 : i32 to vector<16xi32>
      %sub3A_73 = arith.subi %get3A_71, %sub3A_72 : vector<16xi32>
      %bitcast_convert_type3A_74 = tpu.bitcast %sub3A_73 : vector<16xi32> -> vector<16xi32>
      %lt3A_75 = arith.constant 65536 : i32
      %lt3A_76 = vector.broadcast %lt3A_75 : i32 to vector<16xi32>
      %lt3A_77 = arith.cmpi ult, %bitcast_convert_type3A_74, %lt3A_76 : vector<16xi32>
      tpu.vector_store_idx %arg4[%sub3A_73], %broadcast_in_dim3A_1 masked %lt3A_77 {add = true} : memref<65536xf32, #tpu.memory_space<vmem>>[vector<16xi32>], vector<16xf32>, vector<16xi1>
      %mul3A_78 = arith.constant 16 : i32
      %mul3A_79 = arith.muli %scan3A_39, %mul3A_78 : i32
      %add3A_80 = arith.constant 3 : i32
      %add3A_81 = arith.addi %mul3A_79, %add3A_80 : i32
      %mul3A_82 = arith.constant 16 : i32
      %mul3A_83 = arith.muli %add3A_81, %mul3A_82 : i32
      %get3A_84 = arith.index_cast %mul3A_83 : i32 to index
      %get3A_85 = tpu.vector_load %arg5[%get3A_84] {strides = array<i32>} : memref<32768xi32, #tpu.memory_space<vmem>>, vector<16xi32>,
      %sub3A_86 = vector.broadcast %mul3A_26 : i32 to vector<16xi32>
      %sub3A_87 = arith.subi %get3A_85, %sub3A_86 : vector<16xi32>
      %bitcast_convert_type3A_88 = tpu.bitcast %sub3A_87 : vector<16xi32> -> vector<16xi32>
      %lt3A_89 = arith.constant 65536 : i32
      %lt3A_90 = vector.broadcast %lt3A_89 : i32 to vector<16xi32>
      %lt3A_91 = arith.cmpi ult, %bitcast_convert_type3A_88, %lt3A_90 : vector<16xi32>
      tpu.vector_store_idx %arg4[%sub3A_87], %broadcast_in_dim3A_1 masked %lt3A_91 {add = true} : memref<65536xf32, #tpu.memory_space<vmem>>[vector<16xi32>], vector<16xf32>, vector<16xi1>
      %mul3A_92 = arith.constant 16 : i32
      %mul3A_93 = arith.muli %scan3A_39, %mul3A_92 : i32
      %add3A_94 = arith.constant 4 : i32
      %add3A_95 = arith.addi %mul3A_93, %add3A_94 : i32
      %mul3A_96 = arith.constant 16 : i32
      %mul3A_97 = arith.muli %add3A_95, %mul3A_96 : i32
      %get3A_98 = arith.index_cast %mul3A_97 : i32 to index
      %get3A_99 = tpu.vector_load %arg5[%get3A_98] {strides = array<i32>} : memref<32768xi32, #tpu.memory_space<vmem>>, vector<16xi32>,
      %sub3A_100 = vector.broadcast %mul3A_26 : i32 to vector<16xi32>
      %sub3A_101 = arith.subi %get3A_99, %sub3A_100 : vector<16xi32>
      %bitcast_convert_type3A_102 = tpu.bitcast %sub3A_101 : vector<16xi32> -> vector<16xi32>
      %lt3A_103 = arith.constant 65536 : i32
      %lt3A_104 = vector.broadcast %lt3A_103 : i32 to vector<16xi32>
      %lt3A_105 = arith.cmpi ult, %bitcast_convert_type3A_102, %lt3A_104 : vector<16xi32>
      tpu.vector_store_idx %arg4[%sub3A_101], %broadcast_in_dim3A_1 masked %lt3A_105 {add = true} : memref<65536xf32, #tpu.memory_space<vmem>>[vector<16xi32>], vector<16xf32>, vector<16xi1>
      %mul3A_106 = arith.constant 16 : i32
      %mul3A_107 = arith.muli %scan3A_39, %mul3A_106 : i32
      %add3A_108 = arith.constant 5 : i32
      %add3A_109 = arith.addi %mul3A_107, %add3A_108 : i32
      %mul3A_110 = arith.constant 16 : i32
      %mul3A_111 = arith.muli %add3A_109, %mul3A_110 : i32
      %get3A_112 = arith.index_cast %mul3A_111 : i32 to index
      %get3A_113 = tpu.vector_load %arg5[%get3A_112] {strides = array<i32>} : memref<32768xi32, #tpu.memory_space<vmem>>, vector<16xi32>,
      %sub3A_114 = vector.broadcast %mul3A_26 : i32 to vector<16xi32>
      %sub3A_115 = arith.subi %get3A_113, %sub3A_114 : vector<16xi32>
      %bitcast_convert_type3A_116 = tpu.bitcast %sub3A_115 : vector<16xi32> -> vector<16xi32>
      %lt3A_117 = arith.constant 65536 : i32
      %lt3A_118 = vector.broadcast %lt3A_117 : i32 to vector<16xi32>
      %lt3A_119 = arith.cmpi ult, %bitcast_convert_type3A_116, %lt3A_118 : vector<16xi32>
      tpu.vector_store_idx %arg4[%sub3A_115], %broadcast_in_dim3A_1 masked %lt3A_119 {add = true} : memref<65536xf32, #tpu.memory_space<vmem>>[vector<16xi32>], vector<16xf32>, vector<16xi1>
      %mul3A_120 = arith.constant 16 : i32
      %mul3A_121 = arith.muli %scan3A_39, %mul3A_120 : i32
      %add3A_122 = arith.constant 6 : i32
      %add3A_123 = arith.addi %mul3A_121, %add3A_122 : i32
      %mul3A_124 = arith.constant 16 : i32
      %mul3A_125 = arith.muli %add3A_123, %mul3A_124 : i32
      %get3A_126 = arith.index_cast %mul3A_125 : i32 to index
      %get3A_127 = tpu.vector_load %arg5[%get3A_126] {strides = array<i32>} : memref<32768xi32, #tpu.memory_space<vmem>>, vector<16xi32>,
      %sub3A_128 = vector.broadcast %mul3A_26 : i32 to vector<16xi32>
      %sub3A_129 = arith.subi %get3A_127, %sub3A_128 : vector<16xi32>
      %bitcast_convert_type3A_130 = tpu.bitcast %sub3A_129 : vector<16xi32> -> vector<16xi32>
      %lt3A_131 = arith.constant 65536 : i32
      %lt3A_132 = vector.broadcast %lt3A_131 : i32 to vector<16xi32>
      %lt3A_133 = arith.cmpi ult, %bitcast_convert_type3A_130, %lt3A_132 : vector<16xi32>
      tpu.vector_store_idx %arg4[%sub3A_129], %broadcast_in_dim3A_1 masked %lt3A_133 {add = true} : memref<65536xf32, #tpu.memory_space<vmem>>[vector<16xi32>], vector<16xf32>, vector<16xi1>
      %mul3A_134 = arith.constant 16 : i32
      %mul3A_135 = arith.muli %scan3A_39, %mul3A_134 : i32
      %add3A_136 = arith.constant 7 : i32
      %add3A_137 = arith.addi %mul3A_135, %add3A_136 : i32
      %mul3A_138 = arith.constant 16 : i32
      %mul3A_139 = arith.muli %add3A_137, %mul3A_138 : i32
      %get3A_140 = arith.index_cast %mul3A_139 : i32 to index
      %get3A_141 = tpu.vector_load %arg5[%get3A_140] {strides = array<i32>} : memref<32768xi32, #tpu.memory_space<vmem>>, vector<16xi32>,
      %sub3A_142 = vector.broadcast %mul3A_26 : i32 to vector<16xi32>
      %sub3A_143 = arith.subi %get3A_141, %sub3A_142 : vector<16xi32>
      %bitcast_convert_type3A_144 = tpu.bitcast %sub3A_143 : vector<16xi32> -> vector<16xi32>
      %lt3A_145 = arith.constant 65536 : i32
      %lt3A_146 = vector.broadcast %lt3A_145 : i32 to vector<16xi32>
      %lt3A_147 = arith.cmpi ult, %bitcast_convert_type3A_144, %lt3A_146 : vector<16xi32>
      tpu.vector_store_idx %arg4[%sub3A_143], %broadcast_in_dim3A_1 masked %lt3A_147 {add = true} : memref<65536xf32, #tpu.memory_space<vmem>>[vector<16xi32>], vector<16xf32>, vector<16xi1>
      %mul3A_148 = arith.constant 16 : i32
      %mul3A_149 = arith.muli %scan3A_39, %mul3A_148 : i32
      %add3A_150 = arith.constant 8 : i32
      %add3A_151 = arith.addi %mul3A_149, %add3A_150 : i32
      %mul3A_152 = arith.constant 16 : i32
      %mul3A_153 = arith.muli %add3A_151, %mul3A_152 : i32
      %get3A_154 = arith.index_cast %mul3A_153 : i32 to index
      %get3A_155 = tpu.vector_load %arg5[%get3A_154] {strides = array<i32>} : memref<32768xi32, #tpu.memory_space<vmem>>, vector<16xi32>,
      %sub3A_156 = vector.broadcast %mul3A_26 : i32 to vector<16xi32>
      %sub3A_157 = arith.subi %get3A_155, %sub3A_156 : vector<16xi32>
      %bitcast_convert_type3A_158 = tpu.bitcast %sub3A_157 : vector<16xi32> -> vector<16xi32>
      %lt3A_159 = arith.constant 65536 : i32
      %lt3A_160 = vector.broadcast %lt3A_159 : i32 to vector<16xi32>
      %lt3A_161 = arith.cmpi ult, %bitcast_convert_type3A_158, %lt3A_160 : vector<16xi32>
      tpu.vector_store_idx %arg4[%sub3A_157], %broadcast_in_dim3A_1 masked %lt3A_161 {add = true} : memref<65536xf32, #tpu.memory_space<vmem>>[vector<16xi32>], vector<16xf32>, vector<16xi1>
      %mul3A_162 = arith.constant 16 : i32
      %mul3A_163 = arith.muli %scan3A_39, %mul3A_162 : i32
      %add3A_164 = arith.constant 9 : i32
      %add3A_165 = arith.addi %mul3A_163, %add3A_164 : i32
      %mul3A_166 = arith.constant 16 : i32
      %mul3A_167 = arith.muli %add3A_165, %mul3A_166 : i32
      %get3A_168 = arith.index_cast %mul3A_167 : i32 to index
      %get3A_169 = tpu.vector_load %arg5[%get3A_168] {strides = array<i32>} : memref<32768xi32, #tpu.memory_space<vmem>>, vector<16xi32>,
      %sub3A_170 = vector.broadcast %mul3A_26 : i32 to vector<16xi32>
      %sub3A_171 = arith.subi %get3A_169, %sub3A_170 : vector<16xi32>
      %bitcast_convert_type3A_172 = tpu.bitcast %sub3A_171 : vector<16xi32> -> vector<16xi32>
      %lt3A_173 = arith.constant 65536 : i32
      %lt3A_174 = vector.broadcast %lt3A_173 : i32 to vector<16xi32>
      %lt3A_175 = arith.cmpi ult, %bitcast_convert_type3A_172, %lt3A_174 : vector<16xi32>
      tpu.vector_store_idx %arg4[%sub3A_171], %broadcast_in_dim3A_1 masked %lt3A_175 {add = true} : memref<65536xf32, #tpu.memory_space<vmem>>[vector<16xi32>], vector<16xf32>, vector<16xi1>
      %mul3A_176 = arith.constant 16 : i32
      %mul3A_177 = arith.muli %scan3A_39, %mul3A_176 : i32
      %add3A_178 = arith.constant 10 : i32
      %add3A_179 = arith.addi %mul3A_177, %add3A_178 : i32
      %mul3A_180 = arith.constant 16 : i32
      %mul3A_181 = arith.muli %add3A_179, %mul3A_180 : i32
      %get3A_182 = arith.index_cast %mul3A_181 : i32 to index
      %get3A_183 = tpu.vector_load %arg5[%get3A_182] {strides = array<i32>} : memref<32768xi32, #tpu.memory_space<vmem>>, vector<16xi32>,
      %sub3A_184 = vector.broadcast %mul3A_26 : i32 to vector<16xi32>
      %sub3A_185 = arith.subi %get3A_183, %sub3A_184 : vector<16xi32>
      %bitcast_convert_type3A_186 = tpu.bitcast %sub3A_185 : vector<16xi32> -> vector<16xi32>
      %lt3A_187 = arith.constant 65536 : i32
      %lt3A_188 = vector.broadcast %lt3A_187 : i32 to vector<16xi32>
      %lt3A_189 = arith.cmpi ult, %bitcast_convert_type3A_186, %lt3A_188 : vector<16xi32>
      tpu.vector_store_idx %arg4[%sub3A_185], %broadcast_in_dim3A_1 masked %lt3A_189 {add = true} : memref<65536xf32, #tpu.memory_space<vmem>>[vector<16xi32>], vector<16xf32>, vector<16xi1>
      %mul3A_190 = arith.constant 16 : i32
      %mul3A_191 = arith.muli %scan3A_39, %mul3A_190 : i32
      %add3A_192 = arith.constant 11 : i32
      %add3A_193 = arith.addi %mul3A_191, %add3A_192 : i32
      %mul3A_194 = arith.constant 16 : i32
      %mul3A_195 = arith.muli %add3A_193, %mul3A_194 : i32
      %get3A_196 = arith.index_cast %mul3A_195 : i32 to index
      %get3A_197 = tpu.vector_load %arg5[%get3A_196] {strides = array<i32>} : memref<32768xi32, #tpu.memory_space<vmem>>, vector<16xi32>,
      %sub3A_198 = vector.broadcast %mul3A_26 : i32 to vector<16xi32>
      %sub3A_199 = arith.subi %get3A_197, %sub3A_198 : vector<16xi32>
      %bitcast_convert_type3A_200 = tpu.bitcast %sub3A_199 : vector<16xi32> -> vector<16xi32>
      %lt3A_201 = arith.constant 65536 : i32
      %lt3A_202 = vector.broadcast %lt3A_201 : i32 to vector<16xi32>
      %lt3A_203 = arith.cmpi ult, %bitcast_convert_type3A_200, %lt3A_202 : vector<16xi32>
      tpu.vector_store_idx %arg4[%sub3A_199], %broadcast_in_dim3A_1 masked %lt3A_203 {add = true} : memref<65536xf32, #tpu.memory_space<vmem>>[vector<16xi32>], vector<16xf32>, vector<16xi1>
      %mul3A_204 = arith.constant 16 : i32
      %mul3A_205 = arith.muli %scan3A_39, %mul3A_204 : i32
      %add3A_206 = arith.constant 12 : i32
      %add3A_207 = arith.addi %mul3A_205, %add3A_206 : i32
      %mul3A_208 = arith.constant 16 : i32
      %mul3A_209 = arith.muli %add3A_207, %mul3A_208 : i32
      %get3A_210 = arith.index_cast %mul3A_209 : i32 to index
      %get3A_211 = tpu.vector_load %arg5[%get3A_210] {strides = array<i32>} : memref<32768xi32, #tpu.memory_space<vmem>>, vector<16xi32>,
      %sub3A_212 = vector.broadcast %mul3A_26 : i32 to vector<16xi32>
      %sub3A_213 = arith.subi %get3A_211, %sub3A_212 : vector<16xi32>
      %bitcast_convert_type3A_214 = tpu.bitcast %sub3A_213 : vector<16xi32> -> vector<16xi32>
      %lt3A_215 = arith.constant 65536 : i32
      %lt3A_216 = vector.broadcast %lt3A_215 : i32 to vector<16xi32>
      %lt3A_217 = arith.cmpi ult, %bitcast_convert_type3A_214, %lt3A_216 : vector<16xi32>
      tpu.vector_store_idx %arg4[%sub3A_213], %broadcast_in_dim3A_1 masked %lt3A_217 {add = true} : memref<65536xf32, #tpu.memory_space<vmem>>[vector<16xi32>], vector<16xf32>, vector<16xi1>
      %mul3A_218 = arith.constant 16 : i32
      %mul3A_219 = arith.muli %scan3A_39, %mul3A_218 : i32
      %add3A_220 = arith.constant 13 : i32
      %add3A_221 = arith.addi %mul3A_219, %add3A_220 : i32
      %mul3A_222 = arith.constant 16 : i32
      %mul3A_223 = arith.muli %add3A_221, %mul3A_222 : i32
      %get3A_224 = arith.index_cast %mul3A_223 : i32 to index
      %get3A_225 = tpu.vector_load %arg5[%get3A_224] {strides = array<i32>} : memref<32768xi32, #tpu.memory_space<vmem>>, vector<16xi32>,
      %sub3A_226 = vector.broadcast %mul3A_26 : i32 to vector<16xi32>
      %sub3A_227 = arith.subi %get3A_225, %sub3A_226 : vector<16xi32>
      %bitcast_convert_type3A_228 = tpu.bitcast %sub3A_227 : vector<16xi32> -> vector<16xi32>
      %lt3A_229 = arith.constant 65536 : i32
      %lt3A_230 = vector.broadcast %lt3A_229 : i32 to vector<16xi32>
      %lt3A_231 = arith.cmpi ult, %bitcast_convert_type3A_228, %lt3A_230 : vector<16xi32>
      tpu.vector_store_idx %arg4[%sub3A_227], %broadcast_in_dim3A_1 masked %lt3A_231 {add = true} : memref<65536xf32, #tpu.memory_space<vmem>>[vector<16xi32>], vector<16xf32>, vector<16xi1>
      %mul3A_232 = arith.constant 16 : i32
      %mul3A_233 = arith.muli %scan3A_39, %mul3A_232 : i32
      %add3A_234 = arith.constant 14 : i32
      %add3A_235 = arith.addi %mul3A_233, %add3A_234 : i32
      %mul3A_236 = arith.constant 16 : i32
      %mul3A_237 = arith.muli %add3A_235, %mul3A_236 : i32
      %get3A_238 = arith.index_cast %mul3A_237 : i32 to index
      %get3A_239 = tpu.vector_load %arg5[%get3A_238] {strides = array<i32>} : memref<32768xi32, #tpu.memory_space<vmem>>, vector<16xi32>,
      %sub3A_240 = vector.broadcast %mul3A_26 : i32 to vector<16xi32>
      %sub3A_241 = arith.subi %get3A_239, %sub3A_240 : vector<16xi32>
      %bitcast_convert_type3A_242 = tpu.bitcast %sub3A_241 : vector<16xi32> -> vector<16xi32>
      %lt3A_243 = arith.constant 65536 : i32
      %lt3A_244 = vector.broadcast %lt3A_243 : i32 to vector<16xi32>
      %lt3A_245 = arith.cmpi ult, %bitcast_convert_type3A_242, %lt3A_244 : vector<16xi32>
      tpu.vector_store_idx %arg4[%sub3A_241], %broadcast_in_dim3A_1 masked %lt3A_245 {add = true} : memref<65536xf32, #tpu.memory_space<vmem>>[vector<16xi32>], vector<16xf32>, vector<16xi1>
      %mul3A_246 = arith.constant 16 : i32
      %mul3A_247 = arith.muli %scan3A_39, %mul3A_246 : i32
      %add3A_248 = arith.constant 15 : i32
      %add3A_249 = arith.addi %mul3A_247, %add3A_248 : i32
      %mul3A_250 = arith.constant 16 : i32
      %mul3A_251 = arith.muli %add3A_249, %mul3A_250 : i32
      %get3A_252 = arith.index_cast %mul3A_251 : i32 to index
      %get3A_253 = tpu.vector_load %arg5[%get3A_252] {strides = array<i32>} : memref<32768xi32, #tpu.memory_space<vmem>>, vector<16xi32>,
      %sub3A_254 = vector.broadcast %mul3A_26 : i32 to vector<16xi32>
      %sub3A_255 = arith.subi %get3A_253, %sub3A_254 : vector<16xi32>
      %bitcast_convert_type3A_256 = tpu.bitcast %sub3A_255 : vector<16xi32> -> vector<16xi32>
      %lt3A_257 = arith.constant 65536 : i32
      %lt3A_258 = vector.broadcast %lt3A_257 : i32 to vector<16xi32>
      %lt3A_259 = arith.cmpi ult, %bitcast_convert_type3A_256, %lt3A_258 : vector<16xi32>
      tpu.vector_store_idx %arg4[%sub3A_255], %broadcast_in_dim3A_1 masked %lt3A_259 {add = true} : memref<65536xf32, #tpu.memory_space<vmem>>[vector<16xi32>], vector<16xf32>, vector<16xi1>
    }
    %scan3A_38 = arith.constant 128 : i32
    "tpu.region"() ({
      %run_scoped3A = tpu.sem_alloc : memref<!tpu.dma_semaphore, #tpu.memory_space<semaphore_mem>>
      %dma_start3A = tpu.memref_slice %arg3[%mul3A_26] : memref<4194304xf32, #tpu.memory_space<hbm>> -> memref<65536xf32, #tpu.memory_space<hbm>>
      %dma_start3A_39 = tpu.memref_slice %arg3[%mul3A_26] : memref<4194304xf32, #tpu.memory_space<hbm>> -> memref<65536xf32, #tpu.memory_space<hbm>>
      tpu.enqueue_dma source(%arg4 : memref<65536xf32, #tpu.memory_space<vmem>>) target(%dma_start3A_39 : memref<65536xf32, #tpu.memory_space<hbm>>) target_semaphore(%run_scoped3A : memref<!tpu.dma_semaphore, #tpu.memory_space<semaphore_mem>>)
      %dma_wait3A = tpu.memref_slice %arg3[%mul3A_26] : memref<4194304xf32, #tpu.memory_space<hbm>> -> memref<65536xf32, #tpu.memory_space<hbm>>
      %dma_wait3A_40 = tpu.memref_slice %arg3[%mul3A_26] : memref<4194304xf32, #tpu.memory_space<hbm>> -> memref<65536xf32, #tpu.memory_space<hbm>>
      tpu.wait_dma2 semaphore(%run_scoped3A : memref<!tpu.dma_semaphore, #tpu.memory_space<semaphore_mem>>) src(%arg4 : memref<65536xf32, #tpu.memory_space<vmem>>) dst(%dma_wait3A_40 : memref<65536xf32, #tpu.memory_space<hbm>>)
      tpu.yield
    }) : () -> ()
    return
  }
}

</mosaic_0001>

<sc_bundles>
// kernel: _build_adj.3.cloned.1.call-start
scs
__scs_entry_jumppad:
0x0: {  	(pc) =	sbr.rel $0x88, $3  }
0x1: {  	(tag) =	ssettag $0x0;
	lr =	simm.s32 $0x1  }
0x2: {  	[smem:$0x3FA0] =	sst lr;
	_ =	strace $0xD0000000  }
0x3: {  	_ = 	snop  }
0x4: {  	_ = 	snop  }
0x5: {  	_ = 	snop  }
0x6: {  	_ = 	snop  }
0x7: {  	_ = 	snop  }
__scs_overlays_trampoline_lowered:
0x8: {  	[smem:$0x3FAF] =	sst s0  }
0x9: {  	[smem:$0x3FB0] =	sst s1  }
0xa: {  	[smem:$0x3FB1] =	sst s2  }
0xb: {  	[smem:$0x3FB2] =	sst s3  }
0xc: {  	[smem:$0x3FB3] =	sst s4  }
0xd: {  	[smem:$0x3FB4] =	sst s5  }
0xe: {  	[smem:$0x3FB5] =	sst s6  }
0xf: {  	[smem:$0x3FB6] =	sst s7  }
0x10: {  	[smem:$0x3FB7] =	sst s8  }
0x11: {  	[smem:$0x3FB8] =	sst s9;
	s0 =	simm.s32 @!p0 $0x0  }
0x12: {  	s1 =	sld [smem:$0x3F9E];
	s0 =	simm.s32 @p0 $0x1  }
0x13: {  	[smem:$0x3FB9] =	sst s0;
	s0 =	simm.s32 @!p1 $0x0  }
0x14: {  	s2 =	sld [smem:$0x3F9D];
	s0 =	simm.s32 @p1 $0x1  }
0x15: {  	[smem:$0x3FBA] =	sst s0;
	s0 =	simm.s32 @!p2 $0x0  }
0x16: {  	s3 =	sld [smem:$0x3FDB];
	s0 =	simm.s32 @p2 $0x1  }
0x17: {  	s4 =	simm.s32 $0x1BF5;
	[smem:$0x3FBC] =	sst s0  }
0x18: {  	s0 =	sld [smem:$0x3F9F];
	_ =	swait.ge [sflag:s4], $0x0  }
0x19: {  	s7 =	sld [smem:$0x3FA0]  }
0x1a: {  	s8 =	sadd.s32 $0xFFFFE003, lr  }
0x1b: {  	s9 =	sadd.s32 $0xFFFFFEF7, lr;
	s5 =	simm.s32 $0xFFFFFFFF;
	p2 =	slt.u32 s8, $0xFFFFF086  }
0x1c: {  	p1 =	slt.u32 s9, $0xF7A;
	s5 =	simm.s32 @!p2 $0x0  }
0x1d: {  	s5 =	simm.s32 @p1 $0x1;
	p0 =	seq.s32 s7, s2  }
0x1e: {  	s7 =	smul.u32 @!p0 $0xF7A, s2;
	p2 =	seq.s32 @!p0 s5, $0x0  }
0x1f: {  	s9 =	smul.u32 $0xF7A, s1;
	s8 =	simm.s32 @!p0 $0x1BF5;
	p2 =	por !p2, p0  }
0x20: {  	[sflag:s8] =	ssyncset.s32 @!p0 $0xFFFFF086;
	s6 =	sadd.s32 @!p0 s3, s7;
	s7 =	simm.s32 @!p0 $0x108  }
0x21: {  	s3 =	sadd.s32 s3, s9;
	s6 =	sadd.s32 @!p0 $0x88, s6;
	s7 =	simm.s32 @p2 $0x1082  }
0x22: {  	[simem:s7], [sflag:s8] =	dma.local @!p0 [hbm:s6], $0xF7A  }
0x23: {  	s9 =	sor.u32 $0xD0000000, s2;
	s6 =	simm.s32 $0x108;
	_ =	swait.ge @!p0 [sflag:s8], $0x0  }
0x24: {  	s3 =	sadd.s32 $0x88, s3;
	s6 =	simm.s32 @!p1 $0x1082;
	[sflag:s4] =	ssyncset.s32 $0xFFFFF086  }
0x25: {  	[simem:s6], [sflag:s4] =	dma.local [hbm:s3], $0xF7A  }
0x26: {  	[smem:$0x3FA0] =	sst s1;
	(tag) =	ssettag s2;
	_ =	strace s9  }
0x27: {  	s1 =	sld [smem:$0x3FB0]  }
0x28: {  	s2 =	sld [smem:$0x3FB1]  }
0x29: {  	s4 =	sld [smem:$0x3FB3]  }
0x2a: {  	p0 =	seq.s32 s5, $0x0;
	s5 =	sld [smem:$0x3FB4]  }
0x2b: {  	s6 =	sld [smem:$0x3FB5]  }
0x2c: {  	s7 =	sld [smem:$0x3FB6]  }
0x2d: {  	s3 =	simm.s32 $0x108;
	s8 =	sld [smem:$0x3FB7]  }
0x2e: {  	s3 =	simm.s32 @!p0 $0x1082;
	s9 =	sld [smem:$0x3FB8]  }
0x2f: {  	lr =	sadd.s32 s0, s3;
	s0 =	sld [smem:$0x3FAF]  }
0x30: {  	s3 =	sld [smem:$0x3FB2]  }
0x31: {  	[smem:$0x3FBB] =	sst s10  }
0x32: {  	s10 =	sld [smem:$0x3FB9];
	_ =	sdelay $0x3  }
0x33: {  	p0 =	seq.s32 s10, $0x1;
	s10 =	sld [smem:$0x3FBB];
	_ =	sdelay $0x3  }
0x34: {  	[smem:$0x3FBB] =	sst s10  }
0x35: {  	s10 =	sld [smem:$0x3FBA];
	_ =	sdelay $0x3  }
0x36: {  	p1 =	seq.s32 s10, $0x1;
	s10 =	sld [smem:$0x3FBB];
	_ =	sdelay $0x3  }
0x37: {  	[smem:$0x3FBB] =	sst s10  }
0x38: {  	s10 =	sld [smem:$0x3FBC]  }
0x39: {  	_ = 	snop;
	(pc) =	sbr.ind lr, $3  }
0x3a: {  	_ = 	snop  }
0x3b: {  	_ = 	snop  }
0x3c: {  	p2 =	seq.s32 s10, $0x1;
	s10 =	sld [smem:$0x3FBB]  }
0x3d: {  	_ =	shalt  }
0x3e: {  	_ =	shalt  }
0x3f: {  	_ =	shalt  }
0x40: {  	_ =	shalt  }
0x41: {  	_ =	shalt  }
0x42: {  	_ =	shalt  }
0x43: {  	_ =	shalt  }
0x44: {  	_ =	shalt  }
0x45: {  	_ =	shalt  }
0x46: {  	_ =	shalt  }
0x47: {  	_ =	shalt  }
0x48: {  	_ =	shalt  }
0x49: {  	_ =	shalt  }
0x4a: {  	_ =	shalt  }
0x4b: {  	_ =	shalt  }
0x4c: {  	_ =	shalt  }
0x4d: {  	_ =	shalt  }
0x4e: {  	_ =	shalt  }
0x4f: {  	_ =	shalt  }
0x50: {  	_ =	shalt  }
0x51: {  	_ =	shalt  }
0x52: {  	_ =	shalt  }
0x53: {  	_ =	shalt  }
0x54: {  	_ =	shalt  }
0x55: {  	_ =	shalt  }
0x56: {  	_ =	shalt  }
0x57: {  	_ =	shalt  }
0x58: {  	_ =	shalt  }
0x59: {  	_ =	shalt  }
0x5a: {  	_ =	shalt  }
0x5b: {  	_ =	shalt  }
0x5c: {  	_ =	shalt  }
0x5d: {  	_ =	shalt  }
0x5e: {  	_ =	shalt  }
0x5f: {  	_ =	shalt  }
0x60: {  	_ =	shalt  }
0x61: {  	_ =	shalt  }
0x62: {  	_ =	shalt  }
0x63: {  	_ =	shalt  }
0x64: {  	_ =	shalt  }
0x65: {  	_ =	shalt  }
0x66: {  	_ =	shalt  }
0x67: {  	_ =	shalt  }
0x68: {  	_ =	shalt  }
0x69: {  	_ =	shalt  }
0x6a: {  	_ =	shalt  }
0x6b: {  	_ =	shalt  }
0x6c: {  	_ =	shalt  }
0x6d: {  	_ =	shalt  }
0x6e: {  	_ =	shalt  }
0x6f: {  	_ =	shalt  }
0x70: {  	_ =	shalt  }
0x71: {  	_ =	shalt  }
0x72: {  	_ =	shalt  }
0x73: {  	_ =	shalt  }
0x74: {  	_ =	shalt  }
0x75: {  	_ =	shalt  }
0x76: {  	_ =	shalt  }
0x77: {  	_ =	shalt  }
0x78: {  	_ =	shalt  }
0x79: {  	_ =	shalt  }
0x7a: {  	_ =	shalt  }
0x7b: {  	_ =	shalt  }
0x7c: {  	_ =	shalt  }
0x7d: {  	_ =	shalt  }
0x7e: {  	_ =	shalt  }
0x7f: {  	_ =	shalt  }
0x80: {  	_ =	shalt  }
0x81: {  	_ =	shalt  }
0x82: {  	_ =	shalt  }
0x83: {  	_ =	shalt  }
0x84: {  	_ =	shalt  }
0x85: {  	_ =	shalt  }
0x86: {  	_ =	shalt  }
0x87: {  	_ =	shalt  }
.Lfunc_end0:
.L_simem_size_0:
called_computation_lowered:
.L_overlay_start_0:
0x88: {  	s2 =	sld [smem:$0x3FD9]  }
0x89: {  	s3 =	sld [smem:$0x3FFE];
	_ =	sdelay $0x1  }
0x8a: {  	s1 =	srdreg.scid  }
0x8b: {  	s0 =	sand.u32 $0x1, s1  }
0x8c: {  	s17 =	sshll.u32 s0, $0xA;
	s2 =	sadd.s32 s3, s2  }
0x8d: {  	s2 =	sadd.s32 s2, s17  }
0x8e: {  	[smem:$0x3FC7] =	sst s2  }
0x8f: {  	_ = 	snop  }
0x90: {  	s2 =	sld [smem:$0x3FC9];
	(tm) =	ssettm $0x1  }
0x91: {  	s18 =	sld [smem:$0x3FFB];
	_ =	sdelay $0x3  }
0x92: {  	_ =	strace s18  }
0x93: {  	s3 =	sld [smem:$0x3FFC];
	_ =	sdelay $0x3  }
0x94: {  	_ =	strace s3  }
0x95: {  	s3 =	sld [smem:$0x3FFD];
	_ =	sdelay $0x3  }
0x96: {  	_ =	strace s3  }
0x97: {  	_ =	strace $0x8FFFFFFF  }
0x98: {  	s19 =	sld [smem:$0x3FDB];
	_ =	sdelay $0x1  }
0x99: {  	s4 =	simm.s32 $_scs_section_size  }
0x9a: {  	s5 =	simm.s32 $_size__tile_overlayer_lowered;
	s6 =	simm.s32 $_tile_overlayer_lowered  }
0x9b: {  	s22 =	simm.s32 $0x1BFF;
	s21 =	sshll.u32 s6, $0x1;
	s3 =	sadd.s32 s4, s19  }
0x9c: {  	s7 =	simm.s32 $0x0;
	s20 =	sshll.u32 s5, $0x1;
	s5 =	sadd.s32 s21, s3  }
0x9d: {  	[timem:s7], [sflag:s22] =	dma.local [hbm:s5], s20  }
0x9e: {  	_ =	swait.ge [sflag:s22], s20  }
0x9f: {  	s4 =	ssub.s32 $0x0, s20;
	[sflag:s22] =	ssyncset.done $0x0  }
0xa0: {  	[sflag:s22] =	ssyncadd.s32 s4;
	_ =	sdelay $0x1  }
0xa1: {  	s23 =	simm.s32 $0x1B8B  }
0xa2: {  	_ =	swait.ge [sflag:s23], $0x1  }
0xa3: {  	[sflag:s23] =	ssyncset.done $0x0  }
0xa4: {  	s25 =	simm.s32 $0x1B8E;
	s24 =	sld [smem:$0x3FFE];
	[sflag:s23] =	ssyncadd.s32 $0xFFFFFFFF  }
0xa5: {  	s26 =	simm.s32 $execute0_lowered;
	[smem:$0x3FD2] =	sst s25  }
0xa6: {  	s5 =	sshll.u32 s26, $0x1;
	_ =	strace $0x80000046;
	[dreg:$0x1] =	wrdreg $0xFFFFFFFF  }
0xa7: {  	s28 =	simm.s32 $_size_execute0_lowered;
	s3 =	sadd.s32 s3, s5;
	[dreg:$0x0] =	wrdreg $0x0  }
0xa8: {  	s5 =	sshll.u32 s28, $0x1;
	[dreg:$0x2] =	wrdreg s3  }
0xa9: {  	[dreg:$0x3] =	wrdreg s5  }
0xaa: {  	[dreg:$0x4] =	wrdreg $0xC0  }
0xab: {  	_ =	task [dreg:s7], $0x5FFFF  }
0xac: {  	[dreg:$0x1] =	wrdreg $0xFFFFFFFF  }
0xad: {  	[dreg:$0x0] =	wrdreg $0x60  }
0xae: {  	[dreg:$0x2] =	wrdreg s2  }
0xaf: {  	[dreg:$0x3] =	wrdreg s24  }
0xb0: {  	[dreg:$0x4] =	wrdreg $0x9  }
0xb1: {  	_ =	task.clear_ibuf [dreg:s7], $0x5FFFF;
	_ =	strace $0x90000046  }
0xb2: {  	s29 =	simm.s32 $0x9;
	_ =	strace $0x80000048  }
0xb3: {  	_ =	swait.ge [sflag:s29], $0x1  }
0xb4: {  	[sflag:s29] =	ssyncadd.s32 $0xFFFFFFFF  }
0xb5: {  	_ =	strace $0x90000048  }
0xb6: {  	_ =	sfence  }
0xb7: {  	s30 =	sld [smem:$0x0];
	_ =	sdelay $0x2  }
0xb8: {  	s31 =	sshll.u32 s1, $0xD;
	s1 =	sshrl.u32 s1, $0x2  }
0xb9: {  	s3 =	sand.u32 $0x4000, s31;
	s1 =	sadd.s32 s1, s30  }
0xba: {  	s0 =	sor.u32 s3, s0;
	s1 =	sshll.u32 s1, $0x11  }
0xbb: {  	s0 =	sor.u32 s1, s0  }
0xbc: {  	s0 =	sadd.s32 $0x8F2B, s0  }
0xbd: {  	[sflag:s0] =	ssyncadd.remote.s32 $0x1  }
0xbe: {  	_ =	sfence.sel $0xFFFF  }
0xbf: {  	[dreg:$0x0] =	wrdreg $0xFFFFFFFF;
	(pc) =	sbr.abs _section_cstart, $3  }
0xc0: {  	[dreg:$0x1] =	wrdreg $0xFFFFFFFF  }
0xc1: {  	_ =	task.clear_ibuf [dreg:s7], $0x2FFFF;
	_ =	strace $0x9FFFFFFF  }
0xc2: {  	(tm) =	ssettm $0x7FFFFFFF  }
0xc3: {  	_ =	shalt  }
tec
execute0_lowered:
.L_overlay_start_1:
0x0: {  	(tag) =	ssettag $0x1  }
0x1: {  	s2 =	rddreg [dreg:$0x0]  }
0x2: {  	s4 =	rddreg [dreg:$0x1]  }
0x3: {  	s0 =	rddreg [dreg:$0x2];
	s5 =	srdreg.scid  }
0x4: {  	s1 =	stileid.u32;
	s3 =	simm.s32 $0x0;
	s5 =	sand.u32 $0x1, s5  }
0x5: {  	s6 =	sshll.u32 s1, $0x1;
	[smem:$0x7FF] =	sst s3;
	s8 =	sadd.s32 $0x400, s4  }
0x6: {  	s6 =	sor.u32 s5, s6;
	_ =	strace $0x80000047;
	s5 =	ssub.s32 $0x2, s5  }
0x7: {  	s7 =	sshll.u32 s6, $0x10;
	s29 =	sshrl.u32 s5, $0x1;
	s30 =	sshll.u32 s6, $0xD  }
0x8: {  	s9 =	sor.u32 $0x200000, s7;
	s10 =	ssub.s32 s5, s29;
	s4 =	sadd.s32 s8, s30  }
0x9: {  	v0 =	vmov s7;
	s7 =	simm.s32 $0x10000;
	s31 =	sshrl.u32 s9, $0x3;
	s6 =	smax.u32 s10, $0x1  }
0xa: {  	v2 =	vimm.f32 $0.0e+00;
	v3 =	vimm.f32 $1.000000000e+00;
	v1 =	vmov s9;
	s9 =	simm.s32 $0x0;
	s5 =	sadd.s32 s8, s31;
	s8 =	simm.s32 $0x1  }
.LBB2_1:
0xb: {  	[tilespmem:s7], [sflag:$0x1] =	stream.linear.gather [hbm4b:s2+s3], $0x8000, $0x38;
	[tilespmem:$0x18000] =	vst v63  }
0xc: {  	_ =	swait.ge [sflag:s8], $0x8000  }
0xd: {  	[sflag:s8] =	ssyncset.done $0x0  }
0xe: {  	s10 =	simm.s32 $0x0;
	s11 =	simm.s32 $0x200;
	[sflag:s8] =	ssyncadd.s32 $0xFFFF8000  }
.LBB2_2:
0xf: {  	p0 =	sne.s32 s11, $0x3FE00;
	[tilespmem:s10+$0x70] =	vst v2  }
0x10: {  	[tilespmem:s10+$0x0] =	vst v2  }
0x11: {  	[tilespmem:s10+$0x10] =	vst v2  }
.Ltmp0:
0x12: {  	[tilespmem:s10+$0x20] =	vst v2;
	(pc) =	sbr.rel @p0 .LBB2_2-.Ltmp0, $4  }
0x13: {  	[tilespmem:s10+$0x30] =	vst v2  }
0x14: {  	[tilespmem:s10+$0x40] =	vst v2  }
0x15: {  	[tilespmem:s10+$0x50] =	vst v2  }
0x16: {  	[tilespmem:s10+$0x60] =	vst v2;
	s10 =	sshra.s32 s11, $0x2;
	s11 =	sadd.s32 $0x200, s11  }
0x17: {  	[tilespmem:s10+$0x70] =	vst v2  }
0x18: {  	[tilespmem:s10+$0x0] =	vst v2  }
0x19: {  	[tilespmem:s10+$0x10] =	vst v2  }
0x1a: {  	[tilespmem:s10+$0x20] =	vst v2  }
0x1b: {  	[tilespmem:s10+$0x30] =	vst v2  }
0x1c: {  	[tilespmem:s10+$0x40] =	vst v2  }
0x1d: {  	[tilespmem:s10+$0x50] =	vst v2  }
0x1e: {  	[tilespmem:s10+$0x60] =	vst v2;
	s10 =	simm.s32 $0x0  }
.LBB2_4:
0x1f: {  	s11 =	sshra.s32 s10, $0x2  }
0x20: {  	v4 =	vld [tilespmem:s11+$0x10000];
	_ =	sdelay $0x4  }
0x21: {  	v5 =	vsub.s32 v4, v0  }
0x22: {  	v4 =	vand.u32 $0x7F, v4;
	vm0 =	vlt.u32 v5, $0x10000;
	v5 =	vand.u32 $0xFFFFFF80, v5  }
0x23: {  	v4 =	vor.u32 v4, v5;
	_ =	sdelay $0x4  }
0x24: {  	[tilespmem:v4+s3+$0x0] =	vst.idx.add.f32.msk vm0, v3  }
0x25: {  	v4 =	vld [tilespmem:s11+$0x10010];
	_ =	sdelay $0x4  }
0x26: {  	v5 =	vsub.s32 v4, v0  }
0x27: {  	v4 =	vand.u32 $0x7F, v4;
	vm13 =	vlt.u32 v5, $0x10000;
	v5 =	vand.u32 $0xFFFFFF80, v5  }
0x28: {  	v4 =	vor.u32 v4, v5;
	_ =	sdelay $0x4  }
0x29: {  	[tilespmem:v4+s3+$0x0] =	vst.idx.add.f32.msk vm13, v3  }
0x2a: {  	v4 =	vld [tilespmem:s11+$0x10020];
	_ =	sdelay $0x4  }
0x2b: {  	v5 =	vsub.s32 v4, v0  }
0x2c: {  	v4 =	vand.u32 $0x7F, v4;
	vm14 =	vlt.u32 v5, $0x10000;
	v5 =	vand.u32 $0xFFFFFF80, v5  }
0x2d: {  	v4 =	vor.u32 v4, v5;
	_ =	sdelay $0x4  }
0x2e: {  	[tilespmem:v4+s3+$0x0] =	vst.idx.add.f32.msk vm14, v3  }
0x2f: {  	v4 =	vld [tilespmem:s11+$0x10030];
	_ =	sdelay $0x4  }
0x30: {  	v5 =	vsub.s32 v4, v0  }
0x31: {  	v4 =	vand.u32 $0x7F, v4;
	vm15 =	vlt.u32 v5, $0x10000;
	v5 =	vand.u32 $0xFFFFFF80, v5  }
0x32: {  	v4 =	vor.u32 v4, v5;
	_ =	sdelay $0x4  }
0x33: {  	[tilespmem:v4+s3+$0x0] =	vst.idx.add.f32.msk vm15, v3  }
0x34: {  	v4 =	vld [tilespmem:s11+$0x10040];
	_ =	sdelay $0x4  }
0x35: {  	v5 =	vsub.s32 v4, v0  }
0x36: {  	v4 =	vand.u32 $0x7F, v4;
	vm4 =	vlt.u32 v5, $0x10000;
	v5 =	vand.u32 $0xFFFFFF80, v5  }
0x37: {  	v4 =	vor.u32 v4, v5;
	_ =	sdelay $0x4  }
0x38: {  	[tilespmem:v4+s3+$0x0] =	vst.idx.add.f32.msk vm4, v3  }
0x39: {  	v4 =	vld [tilespmem:s11+$0x10050];
	_ =	sdelay $0x4  }
0x3a: {  	v5 =	vsub.s32 v4, v0  }
0x3b: {  	v4 =	vand.u32 $0x7F, v4;
	vm5 =	vlt.u32 v5, $0x10000;
	v5 =	vand.u32 $0xFFFFFF80, v5  }
0x3c: {  	v4 =	vor.u32 v4, v5;
	_ =	sdelay $0x4  }
0x3d: {  	[tilespmem:v4+s3+$0x0] =	vst.idx.add.f32.msk vm5, v3  }
0x3e: {  	v4 =	vld [tilespmem:s11+$0x10060];
	_ =	sdelay $0x4  }
0x3f: {  	v5 =	vsub.s32 v4, v0  }
0x40: {  	v4 =	vand.u32 $0x7F, v4;
	vm6 =	vlt.u32 v5, $0x10000;
	v5 =	vand.u32 $0xFFFFFF80, v5  }
0x41: {  	v4 =	vor.u32 v4, v5;
	_ =	sdelay $0x4  }
0x42: {  	[tilespmem:v4+s3+$0x0] =	vst.idx.add.f32.msk vm6, v3  }
0x43: {  	v4 =	vld [tilespmem:s11+$0x10070];
	_ =	sdelay $0x4  }
0x44: {  	v5 =	vsub.s32 v4, v0  }
0x45: {  	v4 =	vand.u32 $0x7F, v4;
	vm7 =	vlt.u32 v5, $0x10000;
	v5 =	vand.u32 $0xFFFFFF80, v5  }
0x46: {  	v4 =	vor.u32 v4, v5;
	_ =	sdelay $0x4  }
0x47: {  	[tilespmem:v4+s3+$0x0] =	vst.idx.add.f32.msk vm7, v3  }
0x48: {  	v4 =	vld [tilespmem:s11+$0x10080];
	_ =	sdelay $0x4  }
0x49: {  	v5 =	vsub.s32 v4, v0  }
0x4a: {  	v4 =	vand.u32 $0x7F, v4;
	vm8 =	vlt.u32 v5, $0x10000;
	v5 =	vand.u32 $0xFFFFFF80, v5  }
0x4b: {  	v4 =	vor.u32 v4, v5;
	_ =	sdelay $0x4  }
0x4c: {  	[tilespmem:v4+s3+$0x0] =	vst.idx.add.f32.msk vm8, v3  }
0x4d: {  	v4 =	vld [tilespmem:s11+$0x10090];
	_ =	sdelay $0x4  }
0x4e: {  	v5 =	vsub.s32 v4, v0  }
0x4f: {  	v4 =	vand.u32 $0x7F, v4;
	vm9 =	vlt.u32 v5, $0x10000;
	v5 =	vand.u32 $0xFFFFFF80, v5  }
0x50: {  	v4 =	vor.u32 v4, v5;
	_ =	sdelay $0x4  }
0x51: {  	[tilespmem:v4+s3+$0x0] =	vst.idx.add.f32.msk vm9, v3  }
0x52: {  	v4 =	vld [tilespmem:s11+$0x100A0];
	_ =	sdelay $0x4  }
0x53: {  	v5 =	vsub.s32 v4, v0  }
0x54: {  	v4 =	vand.u32 $0x7F, v4;
	vm10 =	vlt.u32 v5, $0x10000;
	v5 =	vand.u32 $0xFFFFFF80, v5  }
0x55: {  	v4 =	vor.u32 v4, v5;
	_ =	sdelay $0x4  }
0x56: {  	[tilespmem:v4+s3+$0x0] =	vst.idx.add.f32.msk vm10, v3  }
0x57: {  	v4 =	vld [tilespmem:s11+$0x100B0];
	_ =	sdelay $0x4  }
0x58: {  	v5 =	vsub.s32 v4, v0  }
0x59: {  	v4 =	vand.u32 $0x7F, v4;
	vm11 =	vlt.u32 v5, $0x10000;
	v5 =	vand.u32 $0xFFFFFF80, v5  }
0x5a: {  	v4 =	vor.u32 v4, v5;
	_ =	sdelay $0x4  }
0x5b: {  	[tilespmem:v4+s3+$0x0] =	vst.idx.add.f32.msk vm11, v3  }
0x5c: {  	v4 =	vld [tilespmem:s11+$0x100C0];
	_ =	sdelay $0x4  }
0x5d: {  	v5 =	vsub.s32 v4, v0  }
0x5e: {  	v4 =	vand.u32 $0x7F, v4;
	vm12 =	vlt.u32 v5, $0x10000;
	v5 =	vand.u32 $0xFFFFFF80, v5  }
0x5f: {  	v4 =	vor.u32 v4, v5;
	_ =	sdelay $0x4  }
0x60: {  	[tilespmem:v4+s3+$0x0] =	vst.idx.add.f32.msk vm12, v3  }
0x61: {  	v4 =	vld [tilespmem:s11+$0x100D0];
	_ =	sdelay $0x4  }
0x62: {  	v5 =	vsub.s32 v4, v0  }
0x63: {  	v4 =	vand.u32 $0x7F, v4;
	vm13 =	vlt.u32 v5, $0x10000;
	v5 =	vand.u32 $0xFFFFFF80, v5  }
0x64: {  	v4 =	vor.u32 v4, v5;
	_ =	sdelay $0x4  }
0x65: {  	[tilespmem:v4+s3+$0x0] =	vst.idx.add.f32.msk vm13, v3  }
0x66: {  	v4 =	vld [tilespmem:s11+$0x100E0];
	_ =	sdelay $0x4  }
0x67: {  	v5 =	vsub.s32 v4, v0  }
0x68: {  	v4 =	vand.u32 $0x7F, v4;
	vm14 =	vlt.u32 v5, $0x10000;
	v5 =	vand.u32 $0xFFFFFF80, v5  }
0x69: {  	v4 =	vor.u32 v4, v5;
	_ =	sdelay $0x4  }
0x6a: {  	[tilespmem:v4+s3+$0x0] =	vst.idx.add.f32.msk vm14, v3  }
0x6b: {  	v4 =	vld [tilespmem:s11+$0x100F0];
	_ =	sdelay $0x4  }
0x6c: {  	v5 =	vsub.s32 v4, v0  }
0x6d: {  	v4 =	vand.u32 $0x7F, v4;
	vm15 =	vlt.u32 v5, $0x10000;
	v5 =	vand.u32 $0xFFFFFF80, v5  }
0x6e: {  	p0 =	sne.s32 s10, $0x1FC00;
	v4 =	vor.u32 v4, v5  }
.Ltmp1:
0x6f: {  	_ = 	snop;
	(pc) =	sbr.rel @p0 .LBB2_4-.Ltmp1, $2  }
0x70: {  	_ =	sdelay $0x2  }
0x71: {  	s10 =	sadd.s32 $0x400, s10;
	[tilespmem:v4+s3+$0x0] =	vst.idx.add.f32.msk vm15, v3  }
0x72: {  	s10 =	simm.s32 $0x0  }
0x73: {  	[hbm4b:s4+s10] =	stream.linear.scatter [tilespmem:s10], [sflag:$0x1], $0x10000, $0x38;
	[tilespmem:$0x18000] =	vst v63  }
0x74: {  	_ =	swait.ge [sflag:s8], $0x10000  }
0x75: {  	[sflag:s8] =	ssyncset.done $0x0  }
0x76: {  	s11 =	simm.s32 $0x0;
	s12 =	simm.s32 $0x200;
	[sflag:s8] =	ssyncadd.s32 $0xFFFF0000  }
.LBB2_6:
0x77: {  	p0 =	sne.s32 s12, $0x3FE00;
	[tilespmem:s11+$0x70] =	vst v2  }
0x78: {  	[tilespmem:s11+$0x0] =	vst v2  }
0x79: {  	[tilespmem:s11+$0x10] =	vst v2  }
.Ltmp2:
0x7a: {  	[tilespmem:s11+$0x20] =	vst v2;
	(pc) =	sbr.rel @p0 .LBB2_6-.Ltmp2, $4  }
0x7b: {  	[tilespmem:s11+$0x30] =	vst v2  }
0x7c: {  	[tilespmem:s11+$0x40] =	vst v2  }
0x7d: {  	[tilespmem:s11+$0x50] =	vst v2  }
0x7e: {  	[tilespmem:s11+$0x60] =	vst v2;
	s11 =	sshra.s32 s12, $0x2;
	s12 =	sadd.s32 $0x200, s12  }
0x7f: {  	[tilespmem:s11+$0x70] =	vst v2  }
0x80: {  	[tilespmem:s11+$0x0] =	vst v2  }
0x81: {  	[tilespmem:s11+$0x10] =	vst v2  }
0x82: {  	[tilespmem:s11+$0x20] =	vst v2  }
0x83: {  	[tilespmem:s11+$0x30] =	vst v2  }
0x84: {  	[tilespmem:s11+$0x40] =	vst v2  }
0x85: {  	[tilespmem:s11+$0x50] =	vst v2  }
0x86: {  	[tilespmem:s11+$0x60] =	vst v2  }
.LBB2_8:
0x87: {  	s11 =	sshra.s32 s10, $0x2  }
0x88: {  	v4 =	vld [tilespmem:s11+$0x10000];
	_ =	sdelay $0x4  }
0x89: {  	v5 =	vsub.s32 v4, v1  }
0x8a: {  	v4 =	vand.u32 $0x7F, v4;
	vm0 =	vlt.u32 v5, $0x10000;
	v5 =	vand.u32 $0xFFFFFF80, v5  }
0x8b: {  	v4 =	vor.u32 v4, v5;
	_ =	sdelay $0x4  }
0x8c: {  	[tilespmem:v4+s3+$0x0] =	vst.idx.add.f32.msk vm0, v3  }
0x8d: {  	v4 =	vld [tilespmem:s11+$0x10010];
	_ =	sdelay $0x4  }
0x8e: {  	v5 =	vsub.s32 v4, v1  }
0x8f: {  	v4 =	vand.u32 $0x7F, v4;
	vm13 =	vlt.u32 v5, $0x10000;
	v5 =	vand.u32 $0xFFFFFF80, v5  }
0x90: {  	v4 =	vor.u32 v4, v5;
	_ =	sdelay $0x4  }
0x91: {  	[tilespmem:v4+s3+$0x0] =	vst.idx.add.f32.msk vm13, v3  }
0x92: {  	v4 =	vld [tilespmem:s11+$0x10020];
	_ =	sdelay $0x4  }
0x93: {  	v5 =	vsub.s32 v4, v1  }
0x94: {  	v4 =	vand.u32 $0x7F, v4;
	vm14 =	vlt.u32 v5, $0x10000;
	v5 =	vand.u32 $0xFFFFFF80, v5  }
0x95: {  	v4 =	vor.u32 v4, v5;
	_ =	sdelay $0x4  }
0x96: {  	[tilespmem:v4+s3+$0x0] =	vst.idx.add.f32.msk vm14, v3  }
0x97: {  	v4 =	vld [tilespmem:s11+$0x10030];
	_ =	sdelay $0x4  }
0x98: {  	v5 =	vsub.s32 v4, v1  }
0x99: {  	v4 =	vand.u32 $0x7F, v4;
	vm15 =	vlt.u32 v5, $0x10000;
	v5 =	vand.u32 $0xFFFFFF80, v5  }
0x9a: {  	v4 =	vor.u32 v4, v5;
	_ =	sdelay $0x4  }
0x9b: {  	[tilespmem:v4+s3+$0x0] =	vst.idx.add.f32.msk vm15, v3  }
0x9c: {  	v4 =	vld [tilespmem:s11+$0x10040];
	_ =	sdelay $0x4  }
0x9d: {  	v5 =	vsub.s32 v4, v1  }
0x9e: {  	v4 =	vand.u32 $0x7F, v4;
	vm4 =	vlt.u32 v5, $0x10000;
	v5 =	vand.u32 $0xFFFFFF80, v5  }
0x9f: {  	v4 =	vor.u32 v4, v5;
	_ =	sdelay $0x4  }
0xa0: {  	[tilespmem:v4+s3+$0x0] =	vst.idx.add.f32.msk vm4, v3  }
0xa1: {  	v4 =	vld [tilespmem:s11+$0x10050];
	_ =	sdelay $0x4  }
0xa2: {  	v5 =	vsub.s32 v4, v1  }
0xa3: {  	v4 =	vand.u32 $0x7F, v4;
	vm5 =	vlt.u32 v5, $0x10000;
	v5 =	vand.u32 $0xFFFFFF80, v5  }
0xa4: {  	v4 =	vor.u32 v4, v5;
	_ =	sdelay $0x4  }
0xa5: {  	[tilespmem:v4+s3+$0x0] =	vst.idx.add.f32.msk vm5, v3  }
0xa6: {  	v4 =	vld [tilespmem:s11+$0x10060];
	_ =	sdelay $0x4  }
0xa7: {  	v5 =	vsub.s32 v4, v1  }
0xa8: {  	v4 =	vand.u32 $0x7F, v4;
	vm6 =	vlt.u32 v5, $0x10000;
	v5 =	vand.u32 $0xFFFFFF80, v5  }
0xa9: {  	v4 =	vor.u32 v4, v5;
	_ =	sdelay $0x4  }
0xaa: {  	[tilespmem:v4+s3+$0x0] =	vst.idx.add.f32.msk vm6, v3  }
0xab: {  	v4 =	vld [tilespmem:s11+$0x10070];
	_ =	sdelay $0x4  }
0xac: {  	v5 =	vsub.s32 v4, v1  }
0xad: {  	v4 =	vand.u32 $0x7F, v4;
	vm7 =	vlt.u32 v5, $0x10000;
	v5 =	vand.u32 $0xFFFFFF80, v5  }
0xae: {  	v4 =	vor.u32 v4, v5;
	_ =	sdelay $0x4  }
0xaf: {  	[tilespmem:v4+s3+$0x0] =	vst.idx.add.f32.msk vm7, v3  }
0xb0: {  	v4 =	vld [tilespmem:s11+$0x10080];
	_ =	sdelay $0x4  }
0xb1: {  	v5 =	vsub.s32 v4, v1  }
0xb2: {  	v4 =	vand.u32 $0x7F, v4;
	vm8 =	vlt.u32 v5, $0x10000;
	v5 =	vand.u32 $0xFFFFFF80, v5  }
0xb3: {  	v4 =	vor.u32 v4, v5;
	_ =	sdelay $0x4  }
0xb4: {  	[tilespmem:v4+s3+$0x0] =	vst.idx.add.f32.msk vm8, v3  }
0xb5: {  	v4 =	vld [tilespmem:s11+$0x10090];
	_ =	sdelay $0x4  }
0xb6: {  	v5 =	vsub.s32 v4, v1  }
0xb7: {  	v4 =	vand.u32 $0x7F, v4;
	vm9 =	vlt.u32 v5, $0x10000;
	v5 =	vand.u32 $0xFFFFFF80, v5  }
0xb8: {  	v4 =	vor.u32 v4, v5;
	_ =	sdelay $0x4  }
0xb9: {  	[tilespmem:v4+s3+$0x0] =	vst.idx.add.f32.msk vm9, v3  }
0xba: {  	v4 =	vld [tilespmem:s11+$0x100A0];
	_ =	sdelay $0x4  }
0xbb: {  	v5 =	vsub.s32 v4, v1  }
0xbc: {  	v4 =	vand.u32 $0x7F, v4;
	vm10 =	vlt.u32 v5, $0x10000;
	v5 =	vand.u32 $0xFFFFFF80, v5  }
0xbd: {  	v4 =	vor.u32 v4, v5;
	_ =	sdelay $0x4  }
0xbe: {  	[tilespmem:v4+s3+$0x0] =	vst.idx.add.f32.msk vm10, v3  }
0xbf: {  	v4 =	vld [tilespmem:s11+$0x100B0];
	_ =	sdelay $0x4  }
0xc0: {  	v5 =	vsub.s32 v4, v1  }
0xc1: {  	v4 =	vand.u32 $0x7F, v4;
	vm11 =	vlt.u32 v5, $0x10000;
	v5 =	vand.u32 $0xFFFFFF80, v5  }
0xc2: {  	v4 =	vor.u32 v4, v5;
	_ =	sdelay $0x4  }
0xc3: {  	[tilespmem:v4+s3+$0x0] =	vst.idx.add.f32.msk vm11, v3  }
0xc4: {  	v4 =	vld [tilespmem:s11+$0x100C0];
	_ =	sdelay $0x4  }
0xc5: {  	v5 =	vsub.s32 v4, v1  }
0xc6: {  	v4 =	vand.u32 $0x7F, v4;
	vm12 =	vlt.u32 v5, $0x10000;
	v5 =	vand.u32 $0xFFFFFF80, v5  }
0xc7: {  	v4 =	vor.u32 v4, v5;
	_ =	sdelay $0x4  }
0xc8: {  	[tilespmem:v4+s3+$0x0] =	vst.idx.add.f32.msk vm12, v3  }
0xc9: {  	v4 =	vld [tilespmem:s11+$0x100D0];
	_ =	sdelay $0x4  }
0xca: {  	v5 =	vsub.s32 v4, v1  }
0xcb: {  	v4 =	vand.u32 $0x7F, v4;
	vm13 =	vlt.u32 v5, $0x10000;
	v5 =	vand.u32 $0xFFFFFF80, v5  }
0xcc: {  	v4 =	vor.u32 v4, v5;
	_ =	sdelay $0x4  }
0xcd: {  	[tilespmem:v4+s3+$0x0] =	vst.idx.add.f32.msk vm13, v3  }
0xce: {  	v4 =	vld [tilespmem:s11+$0x100E0];
	_ =	sdelay $0x4  }
0xcf: {  	v5 =	vsub.s32 v4, v1  }
0xd0: {  	v4 =	vand.u32 $0x7F, v4;
	vm14 =	vlt.u32 v5, $0x10000;
	v5 =	vand.u32 $0xFFFFFF80, v5  }
0xd1: {  	v4 =	vor.u32 v4, v5;
	_ =	sdelay $0x4  }
0xd2: {  	[tilespmem:v4+s3+$0x0] =	vst.idx.add.f32.msk vm14, v3  }
0xd3: {  	v4 =	vld [tilespmem:s11+$0x100F0];
	_ =	sdelay $0x4  }
0xd4: {  	v5 =	vsub.s32 v4, v1  }
0xd5: {  	v4 =	vand.u32 $0x7F, v4;
	vm15 =	vlt.u32 v5, $0x10000;
	v5 =	vand.u32 $0xFFFFFF80, v5  }
0xd6: {  	p0 =	sne.s32 s10, $0x1FC00;
	v4 =	vor.u32 v4, v5  }
.Ltmp3:
0xd7: {  	_ = 	snop;
	(pc) =	sbr.rel @p0 .LBB2_8-.Ltmp3, $2  }
0xd8: {  	_ =	sdelay $0x2  }
0xd9: {  	s10 =	sadd.s32 $0x400, s10;
	[tilespmem:v4+s3+$0x0] =	vst.idx.add.f32.msk vm15, v3  }
0xda: {  	s9 =	sadd.s32 $0x1, s9  }
0xdb: {  	p0 =	sne.s32 s9, s6  }
.Ltmp4:
0xdc: {  	_ = 	snop;
	(pc) =	sbr.rel @p0 .LBB2_1-.Ltmp4, $4  }
0xdd: {  	[hbm4b:s5+s3] =	stream.linear.scatter [tilespmem:s3], [sflag:$0x1], $0x10000, $0x38;
	[tilespmem:$0x18000] =	vst v63  }
0xde: {  	_ =	swait.ge [sflag:s8], $0x10000  }
0xdf: {  	[sflag:s8] =	ssyncset.done $0x0  }
0xe0: {  	[sflag:s8] =	ssyncadd.s32 $0xFFFF0000  }
0xe1: {  	_ =	sfence.sel $0x180000  }
0xe2: {  	[bflag:$0x0] =	sbarrier.arrive $0xFFFF  }
0xe3: {  	p0 =	sne.s32 s1, $0x0;
	_ =	strace $0x90000047  }
0xe4: {  	s0 =	sadd.s32 @!p0 $0x100000, s0;
	[bflag:$0x2] =	sbarrier.arrive $0xFFFF  }
0xe5: {  	[sflag:s0] =	ssyncadd.tile.s32 @!p0 $0x1;
	_ =	shalt  }
.Lfunc_end2:
_tile_overlayer_lowered:
.L_overlay_start_2:
0xe6: {  	(tag) =	ssettag $0x2  }
0xe7: {  	s0 =	rddreg [dreg:$0x0];
	s2 =	stileid.u32  }
0xe8: {  	s1 =	rddreg [dreg:$0x1];
	p0 =	sne.s32 s2, $0x0  }
0xe9: {  	s3 =	rddreg [dreg:$0x2];
	[bflag:$0x3] =	sbarrier.arrive $0xFFFF;
	s2 =	simm.s32 @!p0 $0x1C01  }
0xea: {  	[timem:s3], [sflag:s2] =	dma.local @!p0 [hbm:s0], s1  }
0xeb: {  	s0 =	simm.s32 @!p0 $0x1  }
0xec: {  	_ =	swait.ge @!p0 [sflag:s0], s1  }
0xed: {  	s1 =	ssub.s32 @!p0 $0x0, s1;
	[sflag:s0] =	ssyncset.done @!p0 $0x0  }
0xee: {  	[sflag:s0] =	ssyncadd.s32 @!p0 s1  }
0xef: {  	[bflag:$0x3] =	sbarrier.arrive $0xFFFF  }
0xf0: {  	_ =	shalt  }

</sc_bundles>
